<compile_context>
chip_gen: v7x
topology: tpu7x:2x2x1
jax: 0.10.2.dev20260603
libtpu: 0.0.44.dev20260713+nightly
codegen_flags: <defaults>
</compile_context>

<pallas_src>
import functools

import jax
import jax.numpy as jnp
from jax import lax
from jax.experimental import pallas as pl
from jax.experimental.pallas import tpu as pltpu
from jax.experimental.pallas import tpu_sc as plsc

N = 10000
E = 320000
D = 128

NC = 2
NS = 16
NW = NC * NS
C = 128
NBUF = 2
HC = 40
CPWA = 120
CPWB = 40
NCHUNK = NS * (CPWA + CPWB)
EPAD = NCHUNK * C
CD = 128
CPWD = 80
NCHUNKD = NW * CPWD
EPADD = NCHUNKD * CD
RPT = 632
ROWS = NS * RPT
RBLK = ROWS // 8


def _worker_ids():
    cid = lax.axis_index("c")
    sid = lax.axis_index("s")
    return cid, sid, sid * NC + cid


def _sc_agg_body(h, gch, sch, z128, accp, gidx, sidx, *rest):
    rows = rest[:NBUF]
    acc_sm = rest[NBUF]
    gsems = rest[NBUF + 1 : NBUF + 1 + NBUF]
    cid, sid, wid = _worker_ids()
    base = sid * RPT

    pltpu.sync_copy(z128, acc_sm.at[pl.ds(base, RPT)])
    plsc.subcore_barrier()

    mycpw = jnp.where(cid == 0, CPWA, CPWB)
    mybase = jnp.where(cid == 0, sid * CPWA, NS * CPWA + sid * CPWB)

    def slab_body(s, carry):
        s0 = mybase + s * HC
        pltpu.sync_copy(gch.at[pl.ds(s0, HC)], gidx)
        pltpu.sync_copy(sch.at[pl.ds(s0, HC)], sidx)
        for b in range(NBUF):
            pltpu.async_copy(h.at[gidx.at[b]], rows[b], gsems[b])

        def ring(i, c2):
            j = i * NBUF
            for b in range(NBUF):
                jb = j + b
                pltpu.make_async_copy(h.at[gidx.at[jb]], rows[b], gsems[b]).wait()
                pltpu.sync_copy(rows[b], acc_sm.at[sidx.at[jb]], add=True)

                @pl.when(jb + NBUF < HC)
                def _():
                    pltpu.async_copy(h.at[gidx.at[jb + NBUF]], rows[b], gsems[b])

            return c2

        lax.fori_loop(0, HC // NBUF, ring, 0)
        return carry

    lax.fori_loop(0, mycpw // HC, slab_body, 0)
    plsc.subcore_barrier()

    pltpu.sync_copy(acc_sm.at[pl.ds(base, RPT)], accp.at[cid, pl.ds(base, RPT)])


def _sc_deg_body(sch, z128, ones_w, degp, sidx, ones_v, deg_sm):
    cid, sid, wid = _worker_ids()
    base = sid * RPT

    pltpu.sync_copy(z128, deg_sm.at[pl.ds(base, RPT)])
    pltpu.sync_copy(ones_w, ones_v)
    pltpu.sync_copy(sch.at[pl.ds(wid * CPWD, CPWD)], sidx)
    plsc.subcore_barrier()

    def chunk(j, carry):
        pltpu.sync_copy(ones_v, deg_sm.at[sidx.at[j]], add=True)
        return carry

    lax.fori_loop(0, CPWD, chunk, 0)
    plsc.subcore_barrier()

    pltpu.sync_copy(deg_sm.at[pl.ds(base, RPT)], degp.at[cid, pl.ds(base, RPT)])


def _sc_mesh():
    return plsc.VectorSubcoreMesh(
        core_axis_name="c", subcore_axis_name="s", num_cores=NC, num_subcores=NS
    )


@functools.cache
def _make_sc_agg():
    return pl.kernel(
        _sc_agg_body,
        out_type=[jax.ShapeDtypeStruct((NC, ROWS, D), jnp.float32)],
        mesh=_sc_mesh(),
        scratch_types=[
            pltpu.VMEM((HC, C), jnp.int32),
            pltpu.VMEM((HC, C), jnp.int32),
            *[pltpu.VMEM((C, D), jnp.float32) for _ in range(NBUF)],
            pltpu.VMEM_SHARED((ROWS, D), jnp.float32),
            *[pltpu.SemaphoreType.DMA for _ in range(NBUF)],
        ],
        name="gcn_sc_agg",
    )


@functools.cache
def _make_sc_deg():
    return pl.kernel(
        _sc_deg_body,
        out_type=[jax.ShapeDtypeStruct((NC, ROWS, D), jnp.float32)],
        mesh=_sc_mesh(),
        scratch_types=[
            pltpu.VMEM((CPWD, CD), jnp.int32),
            pltpu.VMEM((CD, D), jnp.float32),
            pltpu.VMEM_SHARED((ROWS, D), jnp.float32),
        ],
        name="gcn_sc_deg",
    )


def _mm_body(x_ref, w_ref, b_ref, o_ref):
    o_ref[...] = (
        jnp.dot(x_ref[...], w_ref[...], preferred_element_type=jnp.float32)
        + b_ref[...][None, :]
    )


_tc_matmul = pl.pallas_call(
    _mm_body,
    grid=(8,),
    in_specs=[
        pl.BlockSpec((RBLK, D), lambda i: (i, 0)),
        pl.BlockSpec((D, D), lambda i: (0, 0)),
        pl.BlockSpec((D,), lambda i: (0,)),
    ],
    out_specs=pl.BlockSpec((RBLK, D), lambda i: (i, 0)),
    out_shape=jax.ShapeDtypeStruct((ROWS, D), jnp.float32),
)


def _mid_body(acc_ref, deg_ref, h_ref, w_ref, b_ref, o_ref):
    s = acc_ref[0] + acc_ref[1] + h_ref[...]
    d = (deg_ref[0] + deg_ref[1]) + 1.0
    g = jnp.maximum(s / d, 0.0)
    o_ref[...] = (
        jnp.dot(g, w_ref[...], preferred_element_type=jnp.float32)
        + b_ref[...][None, :]
    )


_tc_mid = pl.pallas_call(
    _mid_body,
    grid=(8,),
    in_specs=[
        pl.BlockSpec((NC, RBLK, D), lambda i: (0, i, 0)),
        pl.BlockSpec((NC, RBLK, D), lambda i: (0, i, 0)),
        pl.BlockSpec((RBLK, D), lambda i: (i, 0)),
        pl.BlockSpec((D, D), lambda i: (0, 0)),
        pl.BlockSpec((D,), lambda i: (0,)),
    ],
    out_specs=pl.BlockSpec((RBLK, D), lambda i: (i, 0)),
    out_shape=jax.ShapeDtypeStruct((ROWS, D), jnp.float32),
)


def _final_body(acc_ref, deg_ref, h_ref, o_ref):
    s = acc_ref[0] + acc_ref[1] + h_ref[...]
    d = (deg_ref[0] + deg_ref[1]) + 1.0
    o_ref[...] = s / d


_tc_final = pl.pallas_call(
    _final_body,
    grid=(8,),
    in_specs=[
        pl.BlockSpec((NC, RBLK, D), lambda i: (0, i, 0)),
        pl.BlockSpec((NC, RBLK, D), lambda i: (0, i, 0)),
        pl.BlockSpec((RBLK, D), lambda i: (i, 0)),
    ],
    out_specs=pl.BlockSpec((RBLK, D), lambda i: (i, 0)),
    out_shape=jax.ShapeDtypeStruct((ROWS, D), jnp.float32),
)


def kernel(x, edge_index, W1, b1, W2, b2):
    src = edge_index[0]
    dst = edge_index[1]
    pad = jnp.full((EPAD - E,), N, jnp.int32)
    srcf = jnp.concatenate([src, pad])
    dstf = jnp.concatenate([dst, pad])
    srcc = srcf.reshape(NCHUNK, C)
    dstc = dstf.reshape(NCHUNK, C)
    srcd = srcf.reshape(NCHUNKD, CD)
    dstd = dstf.reshape(NCHUNKD, CD)
    x_pad = jnp.pad(x, ((0, ROWS - N), (0, 0)))

    z128 = jnp.zeros((RPT, D), jnp.float32)
    ones_w = jnp.ones((CD, D), jnp.float32)

    (deg1,) = _make_sc_deg()(dstd, z128, ones_w)
    (deg2,) = _make_sc_deg()(srcd, z128, ones_w)
    h1 = _tc_matmul(x_pad, W1, b1)
    (acc1,) = _make_sc_agg()(h1, srcc, dstc, z128)
    h2 = _tc_mid(acc1, deg1, h1, W2, b2)
    (acc2,) = _make_sc_agg()(h2, dstc, srcc, z128)
    out = _tc_final(acc2, deg2, h2)
    return out[:N]

# --- scband reference (transcript-rebuilt; emitter-appended) ---
"""Pipeline reference for scband-source-gcnconv-encoder-5162550690710 (READ-ONLY COPY).

The authoritative reference and input builder live on the scoring server;
editing this copy changes nothing except your own understanding.
"""

import jax, jax.numpy as jnp
import numpy as np

N = 10000
E = 320000
D_IN = 128
D_HID = 128
D_OUT = 128
ALPHA = 1.0
BETA = 0.0


def setup_inputs(seed: int = 0):
    key = jax.random.key(seed)
    k1, k2, k3, k4, k5, k6 = jax.random.split(key, 6)
    x = jax.random.normal(k1, (N, D_IN), dtype=jnp.float32)
    edge_index = jax.random.randint(k2, (2, E), 0, N, dtype=jnp.int32)
    s1 = 1.0 / np.sqrt(D_IN)
    W1 = jax.random.uniform(k3, (D_IN, D_HID), jnp.float32, -s1, s1)
    b1 = jax.random.uniform(k4, (D_HID,), jnp.float32, -s1, s1)
    s2 = 1.0 / np.sqrt(D_HID)
    W2 = jax.random.uniform(k5, (D_HID, D_OUT), jnp.float32, -s2, s2)
    b2 = jax.random.uniform(k6, (D_OUT,), jnp.float32, -s2, s2)
    return {"x": x, "edge_index": edge_index, "W1": W1, "b1": b1, "W2": W2, "b2": b2}


def _directed_gcn_conv(x, edge_index, W, b, alpha, beta, num_nodes):
    # add self loops (self_loops=True)
    loop = jnp.arange(num_nodes, dtype=edge_index.dtype)
    ei = jnp.concatenate([edge_index, jnp.stack([loop, loop])], axis=1)
    row, col = ei[0], ei[1]
    # linear transform
    h = x @ W + b
    # degree normalization: D_in^{-alpha}[col] * D_out^{-beta}[row]
    ones = jnp.ones(ei.shape[1], dtype=h.dtype)
    deg_in = jax.ops.segment_sum(ones, col, num_segments=num_nodes)
    deg_out = jax.ops.segment_sum(ones, row, num_segments=num_nodes)
    din = jnp.where(deg_in > 0, deg_in ** (-alpha), 0.0)
    dout = jnp.where(deg_out > 0, deg_out ** (-beta), 0.0)
    norm = dout[row] * din[col]
    # message: norm * x_j (source node gather), aggregate add at destination
    msg = norm[:, None] * jnp.take(h, row, axis=0)
    return jax.ops.segment_sum(msg, col, num_segments=num_nodes)


def reference(x, edge_index, W1, b1, W2, b2):
    h = jax.nn.relu(_directed_gcn_conv(x, edge_index, W1, b1, ALPHA, BETA, N))
    ei_flipped = jnp.flip(edge_index, axis=0)
    out = _directed_gcn_conv(h, ei_flipped, W2, b2, ALPHA, BETA, N)
    return out

if __name__ == "__main__":
    import jax
    _d = setup_inputs()
    print(jax.jit(kernel)(*tuple(_d.values())))

</pallas_src>

<mosaic_0001>
#map = affine_map<(d0, d1) -> (0, 0)>
#map1 = affine_map<(d0, d1) -> (0, 0, 0)>
module attributes {stable_mosaic.version = 14 : i64} {
  func.func @gcn_sc_deg(%arg0: i32, %arg1: i32, %arg2: memref<2560x128xi32, #tpu.memory_space<hbm>>, %arg3: memref<632x128xf32, #tpu.memory_space<hbm>>, %arg4: memref<128x128xf32, #tpu.memory_space<hbm>>, %arg5: memref<2x10112x128xf32, #tpu.memory_space<hbm>>, %arg6: memref<80x128xi32, #tpu.memory_space<vmem>>, %arg7: memref<128x128xf32, #tpu.memory_space<vmem>>, %arg8: memref<10112x128xf32, #tpu.memory_space<vmem_shared>>) attributes {dimension_semantics = [#tpu.dimension_semantics<core_parallel>, #tpu.dimension_semantics<subcore_parallel>], iteration_bounds = array<i64: 2, 16>, scalar_prefetch = 0 : i64, scratch_operands = 3 : i64, tpu.core_type = #tpu.core_type<sc_vector_subcore>, window_params = [{transform_indices = #map}, {transform_indices = #map}, {transform_indices = #map}, {transform_indices = #map1}]} {
    %mul3A = arith.constant 2 : i32
    %mul3A_0 = arith.muli %arg1, %mul3A : i32
    %add3A = arith.addi %mul3A_0, %arg0 : i32
    %mul3A_1 = arith.constant 632 : i32
    %mul3A_2 = arith.muli %arg1, %mul3A_1 : i32
    "tpu.region"() ({
      %run_scoped3A = tpu.sem_alloc : memref<!tpu.dma_semaphore, #tpu.memory_space<semaphore_mem>>
      %dma_start3A = arith.constant 0 : i32
      %dma_start3A_11 = tpu.memref_slice %arg8[%mul3A_2, %dma_start3A] : memref<10112x128xf32, #tpu.memory_space<vmem_shared>> -> memref<632x128xf32, #tpu.memory_space<vmem_shared>>
      tpu.enqueue_dma source(%arg3 : memref<632x128xf32, #tpu.memory_space<hbm>>) target(%dma_start3A_11 : memref<632x128xf32, #tpu.memory_space<vmem_shared>>) target_semaphore(%run_scoped3A : memref<!tpu.dma_semaphore, #tpu.memory_space<semaphore_mem>>)
      %dma_wait3A = arith.constant 0 : i32
      %dma_wait3A_12 = tpu.memref_slice %arg8[%mul3A_2, %dma_wait3A] : memref<10112x128xf32, #tpu.memory_space<vmem_shared>> -> memref<632x128xf32, #tpu.memory_space<vmem_shared>>
      tpu.wait_dma2 semaphore(%run_scoped3A : memref<!tpu.dma_semaphore, #tpu.memory_space<semaphore_mem>>) src(%arg3 : memref<632x128xf32, #tpu.memory_space<hbm>>) dst(%dma_wait3A_12 : memref<632x128xf32, #tpu.memory_space<vmem_shared>>)
      tpu.yield
    }) : () -> ()
    "tpu.region"() ({
      %run_scoped3A = tpu.sem_alloc : memref<!tpu.dma_semaphore, #tpu.memory_space<semaphore_mem>>
      tpu.enqueue_dma source(%arg4 : memref<128x128xf32, #tpu.memory_space<hbm>>) target(%arg7 : memref<128x128xf32, #tpu.memory_space<vmem>>) target_semaphore(%run_scoped3A : memref<!tpu.dma_semaphore, #tpu.memory_space<semaphore_mem>>)
      tpu.wait_dma2 semaphore(%run_scoped3A : memref<!tpu.dma_semaphore, #tpu.memory_space<semaphore_mem>>) src(%arg4 : memref<128x128xf32, #tpu.memory_space<hbm>>) dst(%arg7 : memref<128x128xf32, #tpu.memory_space<vmem>>)
      tpu.yield
    }) : () -> ()
    %mul3A_3 = arith.constant 80 : i32
    %mul3A_4 = arith.muli %add3A, %mul3A_3 : i32
    "tpu.region"() ({
      %run_scoped3A = tpu.sem_alloc : memref<!tpu.dma_semaphore, #tpu.memory_space<semaphore_mem>>
      %dma_start3A = arith.constant 0 : i32
      %dma_start3A_11 = tpu.memref_slice %arg2[%mul3A_4, %dma_start3A] : memref<2560x128xi32, #tpu.memory_space<hbm>> -> memref<80x128xi32, #tpu.memory_space<hbm>>
      %dma_start3A_12 = arith.constant 0 : i32
      %dma_start3A_13 = tpu.memref_slice %arg2[%mul3A_4, %dma_start3A_12] : memref<2560x128xi32, #tpu.memory_space<hbm>> -> memref<80x128xi32, #tpu.memory_space<hbm>>
      tpu.enqueue_dma source(%dma_start3A_13 : memref<80x128xi32, #tpu.memory_space<hbm>>) target(%arg6 : memref<80x128xi32, #tpu.memory_space<vmem>>) target_semaphore(%run_scoped3A : memref<!tpu.dma_semaphore, #tpu.memory_space<semaphore_mem>>)
      %dma_wait3A = arith.constant 0 : i32
      %dma_wait3A_14 = tpu.memref_slice %arg2[%mul3A_4, %dma_wait3A] : memref<2560x128xi32, #tpu.memory_space<hbm>> -> memref<80x128xi32, #tpu.memory_space<hbm>>
      %dma_wait3A_15 = arith.constant 0 : i32
      %dma_wait3A_16 = tpu.memref_slice %arg2[%mul3A_4, %dma_wait3A_15] : memref<2560x128xi32, #tpu.memory_space<hbm>> -> memref<80x128xi32, #tpu.memory_space<hbm>>
      tpu.wait_dma2 semaphore(%run_scoped3A : memref<!tpu.dma_semaphore, #tpu.memory_space<semaphore_mem>>) src(%dma_wait3A_16 : memref<80x128xi32, #tpu.memory_space<hbm>>) dst(%arg6 : memref<80x128xi32, #tpu.memory_space<vmem>>)
      tpu.yield
    }) : () -> ()
    %barrier3A = arith.constant 0 : index
    tpu.barrier barrier_id(%barrier3A)
    %scan3A = arith.constant 0 : i32
    %scan3A_5 = arith.constant 0 : i32
    %scan3A_6 = arith.constant 80 : i32
    %scan3A_7 = arith.addi %scan3A_5, %scan3A_6 : i32
    %scan3A_8 = arith.constant 1 : i32
    scf.for %scan3A_11 = %scan3A_5 to %scan3A_7 step %scan3A_8  : i32 {
      "tpu.region"() ({
        %run_scoped3A = tpu.sem_alloc : memref<!tpu.dma_semaphore, #tpu.memory_space<semaphore_mem>>
        %dma_start3A = arith.constant 0 : i32
        %dma_start3A_12 = tpu.memref_slice %arg6[%scan3A_11, %dma_start3A] : memref<80x128xi32, #tpu.memory_space<vmem>> -> memref<1x128xi32, #tpu.memory_space<vmem>>
        %dma_start3A_13 = tpu.memref_squeeze %dma_start3A_12 : memref<1x128xi32, #tpu.memory_space<vmem>> -> memref<128xi32, #tpu.memory_space<vmem>>
        %dma_start3A_14 = arith.constant 0 : i32
        %dma_start3A_15 = arith.constant 0 : i32
        %dma_start3A_16 = tpu.memref_slice %arg8[%dma_start3A_14, %dma_start3A_15] : memref<10112x128xf32, #tpu.memory_space<vmem_shared>> -> memref<10112x128xf32, #tpu.memory_space<vmem_shared>>
        tpu.enqueue_indirect_dma source(%arg7 : memref<128x128xf32, #tpu.memory_space<vmem>>) target(%dma_start3A_16 : memref<10112x128xf32, #tpu.memory_space<vmem_shared>>) offsets(%dma_start3A_13 : memref<128xi32, #tpu.memory_space<vmem>>) semaphore(%run_scoped3A : memref<!tpu.dma_semaphore, #tpu.memory_space<semaphore_mem>>) {add = true}
        %dma_wait3A = arith.constant 0 : i32
        %dma_wait3A_17 = tpu.memref_slice %arg6[%scan3A_11, %dma_wait3A] : memref<80x128xi32, #tpu.memory_space<vmem>> -> memref<1x128xi32, #tpu.memory_space<vmem>>
        %dma_wait3A_18 = tpu.memref_squeeze %dma_wait3A_17 : memref<1x128xi32, #tpu.memory_space<vmem>> -> memref<128xi32, #tpu.memory_space<vmem>>
        %dma_wait3A_19 = arith.constant 0 : i32
        %dma_wait3A_20 = arith.constant 0 : i32
        %dma_wait3A_21 = tpu.memref_slice %arg8[%dma_wait3A_19, %dma_wait3A_20] : memref<10112x128xf32, #tpu.memory_space<vmem_shared>> -> memref<10112x128xf32, #tpu.memory_space<vmem_shared>>
        tpu.wait_indirect_dma semaphore(%run_scoped3A : memref<!tpu.dma_semaphore, #tpu.memory_space<semaphore_mem>>) src(%arg7 : memref<128x128xf32, #tpu.memory_space<vmem>>) dst(%dma_wait3A_21 : memref<10112x128xf32, #tpu.memory_space<vmem_shared>>)
        tpu.yield
      }) : () -> ()
    }
    %scan3A_9 = arith.constant 80 : i32
    %barrier3A_10 = arith.constant 0 : index
    tpu.barrier barrier_id(%barrier3A_10)
    "tpu.region"() ({
      %run_scoped3A = tpu.sem_alloc : memref<!tpu.dma_semaphore, #tpu.memory_space<semaphore_mem>>
      %dma_start3A = arith.constant 0 : i32
      %dma_start3A_11 = tpu.memref_slice %arg5[%arg0, %mul3A_2, %dma_start3A] : memref<2x10112x128xf32, #tpu.memory_space<hbm>> -> memref<1x632x128xf32, #tpu.memory_space<hbm>>
      %dma_start3A_12 = tpu.memref_squeeze %dma_start3A_11 : memref<1x632x128xf32, #tpu.memory_space<hbm>> -> memref<632x128xf32, #tpu.memory_space<hbm>>
      %dma_start3A_13 = arith.constant 0 : i32
      %dma_start3A_14 = tpu.memref_slice %arg8[%mul3A_2, %dma_start3A_13] : memref<10112x128xf32, #tpu.memory_space<vmem_shared>> -> memref<632x128xf32, #tpu.memory_space<vmem_shared>>
      tpu.enqueue_dma source(%dma_start3A_14 : memref<632x128xf32, #tpu.memory_space<vmem_shared>>) target(%dma_start3A_12 : memref<632x128xf32, #tpu.memory_space<hbm>>) target_semaphore(%run_scoped3A : memref<!tpu.dma_semaphore, #tpu.memory_space<semaphore_mem>>)
      %dma_wait3A = arith.constant 0 : i32
      %dma_wait3A_15 = tpu.memref_slice %arg5[%arg0, %mul3A_2, %dma_wait3A] : memref<2x10112x128xf32, #tpu.memory_space<hbm>> -> memref<1x632x128xf32, #tpu.memory_space<hbm>>
      %dma_wait3A_16 = tpu.memref_squeeze %dma_wait3A_15 : memref<1x632x128xf32, #tpu.memory_space<hbm>> -> memref<632x128xf32, #tpu.memory_space<hbm>>
      %dma_wait3A_17 = arith.constant 0 : i32
      %dma_wait3A_18 = tpu.memref_slice %arg8[%mul3A_2, %dma_wait3A_17] : memref<10112x128xf32, #tpu.memory_space<vmem_shared>> -> memref<632x128xf32, #tpu.memory_space<vmem_shared>>
      tpu.wait_dma2 semaphore(%run_scoped3A : memref<!tpu.dma_semaphore, #tpu.memory_space<semaphore_mem>>) src(%dma_wait3A_18 : memref<632x128xf32, #tpu.memory_space<vmem_shared>>) dst(%dma_wait3A_16 : memref<632x128xf32, #tpu.memory_space<hbm>>)
      tpu.yield
    }) : () -> ()
    return
  }
}

#map = affine_map<(d0, d1) -> (0, 0)>
#map1 = affine_map<(d0, d1) -> (0, 0, 0)>
module attributes {stable_mosaic.version = 14 : i64} {
  func.func @gcn_sc_deg(%arg0: i32, %arg1: i32, %arg2: memref<2560x128xi32, #tpu.memory_space<hbm>>, %arg3: memref<632x128xf32, #tpu.memory_space<hbm>>, %arg4: memref<128x128xf32, #tpu.memory_space<hbm>>, %arg5: memref<2x10112x128xf32, #tpu.memory_space<hbm>>, %arg6: memref<80x128xi32, #tpu.memory_space<vmem>>, %arg7: memref<128x128xf32, #tpu.memory_space<vmem>>, %arg8: memref<10112x128xf32, #tpu.memory_space<vmem_shared>>) attributes {dimension_semantics = [#tpu.dimension_semantics<core_parallel>, #tpu.dimension_semantics<subcore_parallel>], iteration_bounds = array<i64: 2, 16>, scalar_prefetch = 0 : i64, scratch_operands = 3 : i64, tpu.core_type = #tpu.core_type<sc_vector_subcore>, window_params = [{transform_indices = #map}, {transform_indices = #map}, {transform_indices = #map}, {transform_indices = #map1}]} {
    %mul3A = arith.constant 2 : i32
    %mul3A_0 = arith.muli %arg1, %mul3A : i32
    %add3A = arith.addi %mul3A_0, %arg0 : i32
    %mul3A_1 = arith.constant 632 : i32
    %mul3A_2 = arith.muli %arg1, %mul3A_1 : i32
    "tpu.region"() ({
      %run_scoped3A = tpu.sem_alloc : memref<!tpu.dma_semaphore, #tpu.memory_space<semaphore_mem>>
      %dma_start3A = arith.constant 0 : i32
      %dma_start3A_11 = tpu.memref_slice %arg8[%mul3A_2, %dma_start3A] : memref<10112x128xf32, #tpu.memory_space<vmem_shared>> -> memref<632x128xf32, #tpu.memory_space<vmem_shared>>
      tpu.enqueue_dma source(%arg3 : memref<632x128xf32, #tpu.memory_space<hbm>>) target(%dma_start3A_11 : memref<632x128xf32, #tpu.memory_space<vmem_shared>>) target_semaphore(%run_scoped3A : memref<!tpu.dma_semaphore, #tpu.memory_space<semaphore_mem>>)
      %dma_wait3A = arith.constant 0 : i32
      %dma_wait3A_12 = tpu.memref_slice %arg8[%mul3A_2, %dma_wait3A] : memref<10112x128xf32, #tpu.memory_space<vmem_shared>> -> memref<632x128xf32, #tpu.memory_space<vmem_shared>>
      tpu.wait_dma2 semaphore(%run_scoped3A : memref<!tpu.dma_semaphore, #tpu.memory_space<semaphore_mem>>) src(%arg3 : memref<632x128xf32, #tpu.memory_space<hbm>>) dst(%dma_wait3A_12 : memref<632x128xf32, #tpu.memory_space<vmem_shared>>)
      tpu.yield
    }) : () -> ()
    "tpu.region"() ({
      %run_scoped3A = tpu.sem_alloc : memref<!tpu.dma_semaphore, #tpu.memory_space<semaphore_mem>>
      tpu.enqueue_dma source(%arg4 : memref<128x128xf32, #tpu.memory_space<hbm>>) target(%arg7 : memref<128x128xf32, #tpu.memory_space<vmem>>) target_semaphore(%run_scoped3A : memref<!tpu.dma_semaphore, #tpu.memory_space<semaphore_mem>>)
      tpu.wait_dma2 semaphore(%run_scoped3A : memref<!tpu.dma_semaphore, #tpu.memory_space<semaphore_mem>>) src(%arg4 : memref<128x128xf32, #tpu.memory_space<hbm>>) dst(%arg7 : memref<128x128xf32, #tpu.memory_space<vmem>>)
      tpu.yield
    }) : () -> ()
    %mul3A_3 = arith.constant 80 : i32
    %mul3A_4 = arith.muli %add3A, %mul3A_3 : i32
    "tpu.region"() ({
      %run_scoped3A = tpu.sem_alloc : memref<!tpu.dma_semaphore, #tpu.memory_space<semaphore_mem>>
      %dma_start3A = arith.constant 0 : i32
      %dma_start3A_11 = tpu.memref_slice %arg2[%mul3A_4, %dma_start3A] : memref<2560x128xi32, #tpu.memory_space<hbm>> -> memref<80x128xi32, #tpu.memory_space<hbm>>
      %dma_start3A_12 = arith.constant 0 : i32
      %dma_start3A_13 = tpu.memref_slice %arg2[%mul3A_4, %dma_start3A_12] : memref<2560x128xi32, #tpu.memory_space<hbm>> -> memref<80x128xi32, #tpu.memory_space<hbm>>
      tpu.enqueue_dma source(%dma_start3A_13 : memref<80x128xi32, #tpu.memory_space<hbm>>) target(%arg6 : memref<80x128xi32, #tpu.memory_space<vmem>>) target_semaphore(%run_scoped3A : memref<!tpu.dma_semaphore, #tpu.memory_space<semaphore_mem>>)
      %dma_wait3A = arith.constant 0 : i32
      %dma_wait3A_14 = tpu.memref_slice %arg2[%mul3A_4, %dma_wait3A] : memref<2560x128xi32, #tpu.memory_space<hbm>> -> memref<80x128xi32, #tpu.memory_space<hbm>>
      %dma_wait3A_15 = arith.constant 0 : i32
      %dma_wait3A_16 = tpu.memref_slice %arg2[%mul3A_4, %dma_wait3A_15] : memref<2560x128xi32, #tpu.memory_space<hbm>> -> memref<80x128xi32, #tpu.memory_space<hbm>>
      tpu.wait_dma2 semaphore(%run_scoped3A : memref<!tpu.dma_semaphore, #tpu.memory_space<semaphore_mem>>) src(%dma_wait3A_16 : memref<80x128xi32, #tpu.memory_space<hbm>>) dst(%arg6 : memref<80x128xi32, #tpu.memory_space<vmem>>)
      tpu.yield
    }) : () -> ()
    %barrier3A = arith.constant 0 : index
    tpu.barrier barrier_id(%barrier3A)
    %scan3A = arith.constant 0 : i32
    %scan3A_5 = arith.constant 0 : i32
    %scan3A_6 = arith.constant 80 : i32
    %scan3A_7 = arith.addi %scan3A_5, %scan3A_6 : i32
    %scan3A_8 = arith.constant 1 : i32
    scf.for %scan3A_11 = %scan3A_5 to %scan3A_7 step %scan3A_8  : i32 {
      "tpu.region"() ({
        %run_scoped3A = tpu.sem_alloc : memref<!tpu.dma_semaphore, #tpu.memory_space<semaphore_mem>>
        %dma_start3A = arith.constant 0 : i32
        %dma_start3A_12 = tpu.memref_slice %arg6[%scan3A_11, %dma_start3A] : memref<80x128xi32, #tpu.memory_space<vmem>> -> memref<1x128xi32, #tpu.memory_space<vmem>>
        %dma_start3A_13 = tpu.memref_squeeze %dma_start3A_12 : memref<1x128xi32, #tpu.memory_space<vmem>> -> memref<128xi32, #tpu.memory_space<vmem>>
        %dma_start3A_14 = arith.constant 0 : i32
        %dma_start3A_15 = arith.constant 0 : i32
        %dma_start3A_16 = tpu.memref_slice %arg8[%dma_start3A_14, %dma_start3A_15] : memref<10112x128xf32, #tpu.memory_space<vmem_shared>> -> memref<10112x128xf32, #tpu.memory_space<vmem_shared>>
        tpu.enqueue_indirect_dma source(%arg7 : memref<128x128xf32, #tpu.memory_space<vmem>>) target(%dma_start3A_16 : memref<10112x128xf32, #tpu.memory_space<vmem_shared>>) offsets(%dma_start3A_13 : memref<128xi32, #tpu.memory_space<vmem>>) semaphore(%run_scoped3A : memref<!tpu.dma_semaphore, #tpu.memory_space<semaphore_mem>>) {add = true}
        %dma_wait3A = arith.constant 0 : i32
        %dma_wait3A_17 = tpu.memref_slice %arg6[%scan3A_11, %dma_wait3A] : memref<80x128xi32, #tpu.memory_space<vmem>> -> memref<1x128xi32, #tpu.memory_space<vmem>>
        %dma_wait3A_18 = tpu.memref_squeeze %dma_wait3A_17 : memref<1x128xi32, #tpu.memory_space<vmem>> -> memref<128xi32, #tpu.memory_space<vmem>>
        %dma_wait3A_19 = arith.constant 0 : i32
        %dma_wait3A_20 = arith.constant 0 : i32
        %dma_wait3A_21 = tpu.memref_slice %arg8[%dma_wait3A_19, %dma_wait3A_20] : memref<10112x128xf32, #tpu.memory_space<vmem_shared>> -> memref<10112x128xf32, #tpu.memory_space<vmem_shared>>
        tpu.wait_indirect_dma semaphore(%run_scoped3A : memref<!tpu.dma_semaphore, #tpu.memory_space<semaphore_mem>>) src(%arg7 : memref<128x128xf32, #tpu.memory_space<vmem>>) dst(%dma_wait3A_21 : memref<10112x128xf32, #tpu.memory_space<vmem_shared>>)
        tpu.yield
      }) : () -> ()
    }
    %scan3A_9 = arith.constant 80 : i32
    %barrier3A_10 = arith.constant 0 : index
    tpu.barrier barrier_id(%barrier3A_10)
    "tpu.region"() ({
      %run_scoped3A = tpu.sem_alloc : memref<!tpu.dma_semaphore, #tpu.memory_space<semaphore_mem>>
      %dma_start3A = arith.constant 0 : i32
      %dma_start3A_11 = tpu.memref_slice %arg5[%arg0, %mul3A_2, %dma_start3A] : memref<2x10112x128xf32, #tpu.memory_space<hbm>> -> memref<1x632x128xf32, #tpu.memory_space<hbm>>
      %dma_start3A_12 = tpu.memref_squeeze %dma_start3A_11 : memref<1x632x128xf32, #tpu.memory_space<hbm>> -> memref<632x128xf32, #tpu.memory_space<hbm>>
      %dma_start3A_13 = arith.constant 0 : i32
      %dma_start3A_14 = tpu.memref_slice %arg8[%mul3A_2, %dma_start3A_13] : memref<10112x128xf32, #tpu.memory_space<vmem_shared>> -> memref<632x128xf32, #tpu.memory_space<vmem_shared>>
      tpu.enqueue_dma source(%dma_start3A_14 : memref<632x128xf32, #tpu.memory_space<vmem_shared>>) target(%dma_start3A_12 : memref<632x128xf32, #tpu.memory_space<hbm>>) target_semaphore(%run_scoped3A : memref<!tpu.dma_semaphore, #tpu.memory_space<semaphore_mem>>)
      %dma_wait3A = arith.constant 0 : i32
      %dma_wait3A_15 = tpu.memref_slice %arg5[%arg0, %mul3A_2, %dma_wait3A] : memref<2x10112x128xf32, #tpu.memory_space<hbm>> -> memref<1x632x128xf32, #tpu.memory_space<hbm>>
      %dma_wait3A_16 = tpu.memref_squeeze %dma_wait3A_15 : memref<1x632x128xf32, #tpu.memory_space<hbm>> -> memref<632x128xf32, #tpu.memory_space<hbm>>
      %dma_wait3A_17 = arith.constant 0 : i32
      %dma_wait3A_18 = tpu.memref_slice %arg8[%mul3A_2, %dma_wait3A_17] : memref<10112x128xf32, #tpu.memory_space<vmem_shared>> -> memref<632x128xf32, #tpu.memory_space<vmem_shared>>
      tpu.wait_dma2 semaphore(%run_scoped3A : memref<!tpu.dma_semaphore, #tpu.memory_space<semaphore_mem>>) src(%dma_wait3A_18 : memref<632x128xf32, #tpu.memory_space<vmem_shared>>) dst(%dma_wait3A_16 : memref<632x128xf32, #tpu.memory_space<hbm>>)
      tpu.yield
    }) : () -> ()
    return
  }
}

#map = affine_map<(d0, d1) -> (0, 0)>
#map1 = affine_map<(d0, d1) -> (0, 0, 0)>
module attributes {stable_mosaic.version = 14 : i64} {
  func.func @gcn_sc_agg(%arg0: i32, %arg1: i32, %arg2: memref<10112x128xf32, #tpu.memory_space<hbm>>, %arg3: memref<2560x128xi32, #tpu.memory_space<hbm>>, %arg4: memref<2560x128xi32, #tpu.memory_space<hbm>>, %arg5: memref<632x128xf32, #tpu.memory_space<hbm>>, %arg6: memref<2x10112x128xf32, #tpu.memory_space<hbm>>, %arg7: memref<40x128xi32, #tpu.memory_space<vmem>>, %arg8: memref<40x128xi32, #tpu.memory_space<vmem>>, %arg9: memref<128x128xf32, #tpu.memory_space<vmem>>, %arg10: memref<128x128xf32, #tpu.memory_space<vmem>>, %arg11: memref<10112x128xf32, #tpu.memory_space<vmem_shared>>, %arg12: memref<!tpu.dma_semaphore, #tpu.memory_space<semaphore_mem>>, %arg13: memref<!tpu.dma_semaphore, #tpu.memory_space<semaphore_mem>>) attributes {dimension_semantics = [#tpu.dimension_semantics<core_parallel>, #tpu.dimension_semantics<subcore_parallel>], iteration_bounds = array<i64: 2, 16>, scalar_prefetch = 0 : i64, scratch_operands = 7 : i64, tpu.core_type = #tpu.core_type<sc_vector_subcore>, window_params = [{transform_indices = #map}, {transform_indices = #map}, {transform_indices = #map}, {transform_indices = #map}, {transform_indices = #map1}]} {
    %mul3A = arith.constant 2 : i32
    %mul3A_0 = arith.muli %arg1, %mul3A : i32
    %add3A = arith.addi %mul3A_0, %arg0 : i32
    %mul3A_1 = arith.constant 632 : i32
    %mul3A_2 = arith.muli %arg1, %mul3A_1 : i32
    "tpu.region"() ({
      %run_scoped3A = tpu.sem_alloc : memref<!tpu.dma_semaphore, #tpu.memory_space<semaphore_mem>>
      %dma_start3A = arith.constant 0 : i32
      %dma_start3A_42 = tpu.memref_slice %arg11[%mul3A_2, %dma_start3A] : memref<10112x128xf32, #tpu.memory_space<vmem_shared>> -> memref<632x128xf32, #tpu.memory_space<vmem_shared>>
      tpu.enqueue_dma source(%arg5 : memref<632x128xf32, #tpu.memory_space<hbm>>) target(%dma_start3A_42 : memref<632x128xf32, #tpu.memory_space<vmem_shared>>) target_semaphore(%run_scoped3A : memref<!tpu.dma_semaphore, #tpu.memory_space<semaphore_mem>>)
      %dma_wait3A = arith.constant 0 : i32
      %dma_wait3A_43 = tpu.memref_slice %arg11[%mul3A_2, %dma_wait3A] : memref<10112x128xf32, #tpu.memory_space<vmem_shared>> -> memref<632x128xf32, #tpu.memory_space<vmem_shared>>
      tpu.wait_dma2 semaphore(%run_scoped3A : memref<!tpu.dma_semaphore, #tpu.memory_space<semaphore_mem>>) src(%arg5 : memref<632x128xf32, #tpu.memory_space<hbm>>) dst(%dma_wait3A_43 : memref<632x128xf32, #tpu.memory_space<vmem_shared>>)
      tpu.yield
    }) : () -> ()
    %barrier3A = arith.constant 0 : index
    tpu.barrier barrier_id(%barrier3A)
    %eq3A = arith.constant 0 : i32
    %eq3A_3 = arith.cmpi eq, %arg0, %eq3A : i32
    %jit3A = arith.constant 120 : i32
    %jit3A_4 = arith.constant 40 : i32
    %select_n3A = arith.select %eq3A_3, %jit3A, %jit3A_4 : i32
    %eq3A_5 = arith.constant 0 : i32
    %eq3A_6 = arith.cmpi eq, %arg0, %eq3A_5 : i32
    %mul3A_7 = arith.constant 120 : i32
    %mul3A_8 = arith.muli %arg1, %mul3A_7 : i32
    %mul3A_9 = arith.constant 40 : i32
    %mul3A_10 = arith.muli %arg1, %mul3A_9 : i32
    %add3A_11 = arith.constant 1920 : i32
    %add3A_12 = arith.addi %add3A_11, %mul3A_10 : i32
    %select_n3A_13 = arith.select %eq3A_6, %mul3A_8, %add3A_12 : i32
    %jit3A_14 = arith.constant 40 : i32
    %div3A = arith.divsi %select_n3A, %jit3A_14 : i32
    %sign3A = arith.constant 0 : i32
    %sign3A_15 = arith.cmpi sgt, %select_n3A, %sign3A : i32
    %sign3A_16 = arith.extui %sign3A_15 : i1 to i32
    %sign3A_17 = arith.constant 0 : i32
    %sign3A_18 = arith.cmpi slt, %select_n3A, %sign3A_17 : i32
    %sign3A_19 = arith.extui %sign3A_18 : i1 to i32
    %sign3A_20 = arith.subi %sign3A_16, %sign3A_19 : i32
    %sign3A_21 = arith.constant 0 : i32
    %sign3A_22 = arith.cmpi sgt, %jit3A_14, %sign3A_21 : i32
    %sign3A_23 = arith.extui %sign3A_22 : i1 to i32
    %sign3A_24 = arith.constant 0 : i32
    %sign3A_25 = arith.cmpi slt, %jit3A_14, %sign3A_24 : i32
    %sign3A_26 = arith.extui %sign3A_25 : i1 to i32
    %sign3A_27 = arith.subi %sign3A_23, %sign3A_26 : i32
    %ne3A = arith.cmpi ne, %sign3A_20, %sign3A_27 : i32
    %rem3A = arith.remsi %select_n3A, %jit3A_14 : i32
    %ne3A_28 = arith.constant 0 : i32
    %ne3A_29 = arith.cmpi ne, %rem3A, %ne3A_28 : i32
    %and3A = arith.andi %ne3A, %ne3A_29 : i1
    %sub3A = arith.constant 1 : i32
    %sub3A_30 = arith.subi %div3A, %sub3A : i32
    %select_n3A_31 = arith.select %and3A, %sub3A_30, %div3A : i32
    %while3A = arith.constant 0 : i32
    %while3A_32 = arith.constant 0 : i32
    %while3A_33 = arith.subi %select_n3A_31, %while3A_32 : i32
    %while3A_34 = arith.addi %while3A_32, %while3A_33 : i32
    %while3A_35 = arith.constant 1 : i32
    %while3A_36 = arith.divsi %while3A_33, %while3A_35 : i32
    %while3A_37 = arith.muli %while3A_36, %while3A_35 : i32
    %while3A_38 = arith.addi %while3A_32, %while3A_37 : i32
    %while3A_39 = arith.constant 1 : i32
    scf.for %while3A_42 = %while3A_32 to %while3A_38 step %while3A_39  : i32 {
      %mul3A_43 = arith.constant 40 : i32
      %mul3A_44 = arith.muli %while3A_42, %mul3A_43 : i32
      %add3A_45 = arith.addi %select_n3A_13, %mul3A_44 : i32
      "tpu.region"() ({
        %run_scoped3A = tpu.sem_alloc : memref<!tpu.dma_semaphore, #tpu.memory_space<semaphore_mem>>
        %dma_start3A_64 = arith.constant 0 : i32
        %dma_start3A_65 = tpu.memref_slice %arg3[%add3A_45, %dma_start3A_64] : memref<2560x128xi32, #tpu.memory_space<hbm>> -> memref<40x128xi32, #tpu.memory_space<hbm>>
        %dma_start3A_66 = arith.constant 0 : i32
        %dma_start3A_67 = tpu.memref_slice %arg3[%add3A_45, %dma_start3A_66] : memref<2560x128xi32, #tpu.memory_space<hbm>> -> memref<40x128xi32, #tpu.memory_space<hbm>>
        tpu.enqueue_dma source(%dma_start3A_67 : memref<40x128xi32, #tpu.memory_space<hbm>>) target(%arg7 : memref<40x128xi32, #tpu.memory_space<vmem>>) target_semaphore(%run_scoped3A : memref<!tpu.dma_semaphore, #tpu.memory_space<semaphore_mem>>)
        %dma_wait3A = arith.constant 0 : i32
        %dma_wait3A_68 = tpu.memref_slice %arg3[%add3A_45, %dma_wait3A] : memref<2560x128xi32, #tpu.memory_space<hbm>> -> memref<40x128xi32, #tpu.memory_space<hbm>>
        %dma_wait3A_69 = arith.constant 0 : i32
        %dma_wait3A_70 = tpu.memref_slice %arg3[%add3A_45, %dma_wait3A_69] : memref<2560x128xi32, #tpu.memory_space<hbm>> -> memref<40x128xi32, #tpu.memory_space<hbm>>
        tpu.wait_dma2 semaphore(%run_scoped3A : memref<!tpu.dma_semaphore, #tpu.memory_space<semaphore_mem>>) src(%dma_wait3A_70 : memref<40x128xi32, #tpu.memory_space<hbm>>) dst(%arg7 : memref<40x128xi32, #tpu.memory_space<vmem>>)
        tpu.yield
      }) : () -> ()
      "tpu.region"() ({
        %run_scoped3A = tpu.sem_alloc : memref<!tpu.dma_semaphore, #tpu.memory_space<semaphore_mem>>
        %dma_start3A_64 = arith.constant 0 : i32
        %dma_start3A_65 = tpu.memref_slice %arg4[%add3A_45, %dma_start3A_64] : memref<2560x128xi32, #tpu.memory_space<hbm>> -> memref<40x128xi32, #tpu.memory_space<hbm>>
        %dma_start3A_66 = arith.constant 0 : i32
        %dma_start3A_67 = tpu.memref_slice %arg4[%add3A_45, %dma_start3A_66] : memref<2560x128xi32, #tpu.memory_space<hbm>> -> memref<40x128xi32, #tpu.memory_space<hbm>>
        tpu.enqueue_dma source(%dma_start3A_67 : memref<40x128xi32, #tpu.memory_space<hbm>>) target(%arg8 : memref<40x128xi32, #tpu.memory_space<vmem>>) target_semaphore(%run_scoped3A : memref<!tpu.dma_semaphore, #tpu.memory_space<semaphore_mem>>)
        %dma_wait3A = arith.constant 0 : i32
        %dma_wait3A_68 = tpu.memref_slice %arg4[%add3A_45, %dma_wait3A] : memref<2560x128xi32, #tpu.memory_space<hbm>> -> memref<40x128xi32, #tpu.memory_space<hbm>>
        %dma_wait3A_69 = arith.constant 0 : i32
        %dma_wait3A_70 = tpu.memref_slice %arg4[%add3A_45, %dma_wait3A_69] : memref<2560x128xi32, #tpu.memory_space<hbm>> -> memref<40x128xi32, #tpu.memory_space<hbm>>
        tpu.wait_dma2 semaphore(%run_scoped3A : memref<!tpu.dma_semaphore, #tpu.memory_space<semaphore_mem>>) src(%dma_wait3A_70 : memref<40x128xi32, #tpu.memory_space<hbm>>) dst(%arg8 : memref<40x128xi32, #tpu.memory_space<vmem>>)
        tpu.yield
      }) : () -> ()
      %dma_start3A = arith.constant 0 : i32
      %dma_start3A_46 = arith.constant 0 : i32
      %dma_start3A_47 = tpu.memref_slice %arg7[%dma_start3A, %dma_start3A_46] : memref<40x128xi32, #tpu.memory_space<vmem>> -> memref<1x128xi32, #tpu.memory_space<vmem>>
      %dma_start3A_48 = tpu.memref_squeeze %dma_start3A_47 : memref<1x128xi32, #tpu.memory_space<vmem>> -> memref<128xi32, #tpu.memory_space<vmem>>
      %dma_start3A_49 = arith.constant 0 : i32
      %dma_start3A_50 = arith.constant 0 : i32
      %dma_start3A_51 = tpu.memref_slice %arg2[%dma_start3A_49, %dma_start3A_50] : memref<10112x128xf32, #tpu.memory_space<hbm>> -> memref<10112x128xf32, #tpu.memory_space<hbm>>
      tpu.enqueue_indirect_dma source(%dma_start3A_51 : memref<10112x128xf32, #tpu.memory_space<hbm>>) target(%arg9 : memref<128x128xf32, #tpu.memory_space<vmem>>) offsets(%dma_start3A_48 : memref<128xi32, #tpu.memory_space<vmem>>) semaphore(%arg12 : memref<!tpu.dma_semaphore, #tpu.memory_space<semaphore_mem>>)
      %dma_start3A_52 = arith.constant 1 : i32
      %dma_start3A_53 = arith.constant 0 : i32
      %dma_start3A_54 = tpu.memref_slice %arg7[%dma_start3A_52, %dma_start3A_53] : memref<40x128xi32, #tpu.memory_space<vmem>> -> memref<1x128xi32, #tpu.memory_space<vmem>>
      %dma_start3A_55 = tpu.memref_squeeze %dma_start3A_54 : memref<1x128xi32, #tpu.memory_space<vmem>> -> memref<128xi32, #tpu.memory_space<vmem>>
      %dma_start3A_56 = arith.constant 0 : i32
      %dma_start3A_57 = arith.constant 0 : i32
      %dma_start3A_58 = tpu.memref_slice %arg2[%dma_start3A_56, %dma_start3A_57] : memref<10112x128xf32, #tpu.memory_space<hbm>> -> memref<10112x128xf32, #tpu.memory_space<hbm>>
      tpu.enqueue_indirect_dma source(%dma_start3A_58 : memref<10112x128xf32, #tpu.memory_space<hbm>>) target(%arg10 : memref<128x128xf32, #tpu.memory_space<vmem>>) offsets(%dma_start3A_55 : memref<128xi32, #tpu.memory_space<vmem>>) semaphore(%arg13 : memref<!tpu.dma_semaphore, #tpu.memory_space<semaphore_mem>>)
      %scan3A = arith.constant 0 : i32
      %scan3A_59 = arith.constant 0 : i32
      %scan3A_60 = arith.constant 20 : i32
      %scan3A_61 = arith.addi %scan3A_59, %scan3A_60 : i32
      %scan3A_62 = arith.constant 1 : i32
      scf.for %scan3A_64 = %scan3A_59 to %scan3A_61 step %scan3A_62  : i32 {
        %mul3A_65 = arith.constant 2 : i32
        %mul3A_66 = arith.muli %scan3A_64, %mul3A_65 : i32
        %add3A_67 = arith.constant 0 : i32
        %add3A_68 = arith.addi %mul3A_66, %add3A_67 : i32
        %dma_wait3A = arith.constant 0 : i32
        %dma_wait3A_69 = tpu.memref_slice %arg7[%add3A_68, %dma_wait3A] : memref<40x128xi32, #tpu.memory_space<vmem>> -> memref<1x128xi32, #tpu.memory_space<vmem>>
        %dma_wait3A_70 = tpu.memref_squeeze %dma_wait3A_69 : memref<1x128xi32, #tpu.memory_space<vmem>> -> memref<128xi32, #tpu.memory_space<vmem>>
        %dma_wait3A_71 = arith.constant 0 : i32
        %dma_wait3A_72 = arith.constant 0 : i32
        %dma_wait3A_73 = tpu.memref_slice %arg2[%dma_wait3A_71, %dma_wait3A_72] : memref<10112x128xf32, #tpu.memory_space<hbm>> -> memref<10112x128xf32, #tpu.memory_space<hbm>>
        tpu.wait_indirect_dma semaphore(%arg12 : memref<!tpu.dma_semaphore, #tpu.memory_space<semaphore_mem>>) src(%dma_wait3A_73 : memref<10112x128xf32, #tpu.memory_space<hbm>>) dst(%arg9 : memref<128x128xf32, #tpu.memory_space<vmem>>)
        "tpu.region"() ({
          %run_scoped3A = tpu.sem_alloc : memref<!tpu.dma_semaphore, #tpu.memory_space<semaphore_mem>>
          %dma_start3A_93 = arith.constant 0 : i32
          %dma_start3A_94 = tpu.memref_slice %arg8[%add3A_68, %dma_start3A_93] : memref<40x128xi32, #tpu.memory_space<vmem>> -> memref<1x128xi32, #tpu.memory_space<vmem>>
          %dma_start3A_95 = tpu.memref_squeeze %dma_start3A_94 : memref<1x128xi32, #tpu.memory_space<vmem>> -> memref<128xi32, #tpu.memory_space<vmem>>
          %dma_start3A_96 = arith.constant 0 : i32
          %dma_start3A_97 = arith.constant 0 : i32
          %dma_start3A_98 = tpu.memref_slice %arg11[%dma_start3A_96, %dma_start3A_97] : memref<10112x128xf32, #tpu.memory_space<vmem_shared>> -> memref<10112x128xf32, #tpu.memory_space<vmem_shared>>
          tpu.enqueue_indirect_dma source(%arg9 : memref<128x128xf32, #tpu.memory_space<vmem>>) target(%dma_start3A_98 : memref<10112x128xf32, #tpu.memory_space<vmem_shared>>) offsets(%dma_start3A_95 : memref<128xi32, #tpu.memory_space<vmem>>) semaphore(%run_scoped3A : memref<!tpu.dma_semaphore, #tpu.memory_space<semaphore_mem>>) {add = true}
          %dma_wait3A_99 = arith.constant 0 : i32
          %dma_wait3A_100 = tpu.memref_slice %arg8[%add3A_68, %dma_wait3A_99] : memref<40x128xi32, #tpu.memory_space<vmem>> -> memref<1x128xi32, #tpu.memory_space<vmem>>
          %dma_wait3A_101 = tpu.memref_squeeze %dma_wait3A_100 : memref<1x128xi32, #tpu.memory_space<vmem>> -> memref<128xi32, #tpu.memory_space<vmem>>
          %dma_wait3A_102 = arith.constant 0 : i32
          %dma_wait3A_103 = arith.constant 0 : i32
          %dma_wait3A_104 = tpu.memref_slice %arg11[%dma_wait3A_102, %dma_wait3A_103] : memref<10112x128xf32, #tpu.memory_space<vmem_shared>> -> memref<10112x128xf32, #tpu.memory_space<vmem_shared>>
          tpu.wait_indirect_dma semaphore(%run_scoped3A : memref<!tpu.dma_semaphore, #tpu.memory_space<semaphore_mem>>) src(%arg9 : memref<128x128xf32, #tpu.memory_space<vmem>>) dst(%dma_wait3A_104 : memref<10112x128xf32, #tpu.memory_space<vmem_shared>>)
          tpu.yield
        }) : () -> ()
        %add3A_74 = arith.constant 2 : i32
        %add3A_75 = arith.addi %add3A_68, %add3A_74 : i32
        %lt3A = arith.constant 40 : i32
        %lt3A_76 = arith.cmpi slt, %add3A_75, %lt3A : i32
        %convert_element_type3A = arith.extui %lt3A_76 : i1 to i32
        %cond3A = arith.constant 0 : i32
        %cond3A_77 = arith.cmpi ne, %convert_element_type3A, %cond3A : i32
        scf.if %cond3A_77 {
          %add3A_93 = arith.constant 2 : i32
          %add3A_94 = arith.addi %add3A_68, %add3A_93 : i32
          %dma_start3A_95 = arith.constant 0 : i32
          %dma_start3A_96 = tpu.memref_slice %arg7[%add3A_94, %dma_start3A_95] : memref<40x128xi32, #tpu.memory_space<vmem>> -> memref<1x128xi32, #tpu.memory_space<vmem>>
          %dma_start3A_97 = tpu.memref_squeeze %dma_start3A_96 : memref<1x128xi32, #tpu.memory_space<vmem>> -> memref<128xi32, #tpu.memory_space<vmem>>
          %dma_start3A_98 = arith.constant 0 : i32
          %dma_start3A_99 = arith.constant 0 : i32
          %dma_start3A_100 = tpu.memref_slice %arg2[%dma_start3A_98, %dma_start3A_99] : memref<10112x128xf32, #tpu.memory_space<hbm>> -> memref<10112x128xf32, #tpu.memory_space<hbm>>
          tpu.enqueue_indirect_dma source(%dma_start3A_100 : memref<10112x128xf32, #tpu.memory_space<hbm>>) target(%arg9 : memref<128x128xf32, #tpu.memory_space<vmem>>) offsets(%dma_start3A_97 : memref<128xi32, #tpu.memory_space<vmem>>) semaphore(%arg12 : memref<!tpu.dma_semaphore, #tpu.memory_space<semaphore_mem>>)
        } else {
        }
        %add3A_78 = arith.constant 1 : i32
        %add3A_79 = arith.addi %mul3A_66, %add3A_78 : i32
        %dma_wait3A_80 = arith.constant 0 : i32
        %dma_wait3A_81 = tpu.memref_slice %arg7[%add3A_79, %dma_wait3A_80] : memref<40x128xi32, #tpu.memory_space<vmem>> -> memref<1x128xi32, #tpu.memory_space<vmem>>
        %dma_wait3A_82 = tpu.memref_squeeze %dma_wait3A_81 : memref<1x128xi32, #tpu.memory_space<vmem>> -> memref<128xi32, #tpu.memory_space<vmem>>
        %dma_wait3A_83 = arith.constant 0 : i32
        %dma_wait3A_84 = arith.constant 0 : i32
        %dma_wait3A_85 = tpu.memref_slice %arg2[%dma_wait3A_83, %dma_wait3A_84] : memref<10112x128xf32, #tpu.memory_space<hbm>> -> memref<10112x128xf32, #tpu.memory_space<hbm>>
        tpu.wait_indirect_dma semaphore(%arg13 : memref<!tpu.dma_semaphore, #tpu.memory_space<semaphore_mem>>) src(%dma_wait3A_85 : memref<10112x128xf32, #tpu.memory_space<hbm>>) dst(%arg10 : memref<128x128xf32, #tpu.memory_space<vmem>>)
        "tpu.region"() ({
          %run_scoped3A = tpu.sem_alloc : memref<!tpu.dma_semaphore, #tpu.memory_space<semaphore_mem>>
          %dma_start3A_93 = arith.constant 0 : i32
          %dma_start3A_94 = tpu.memref_slice %arg8[%add3A_79, %dma_start3A_93] : memref<40x128xi32, #tpu.memory_space<vmem>> -> memref<1x128xi32, #tpu.memory_space<vmem>>
          %dma_start3A_95 = tpu.memref_squeeze %dma_start3A_94 : memref<1x128xi32, #tpu.memory_space<vmem>> -> memref<128xi32, #tpu.memory_space<vmem>>
          %dma_start3A_96 = arith.constant 0 : i32
          %dma_start3A_97 = arith.constant 0 : i32
          %dma_start3A_98 = tpu.memref_slice %arg11[%dma_start3A_96, %dma_start3A_97] : memref<10112x128xf32, #tpu.memory_space<vmem_shared>> -> memref<10112x128xf32, #tpu.memory_space<vmem_shared>>
          tpu.enqueue_indirect_dma source(%arg10 : memref<128x128xf32, #tpu.memory_space<vmem>>) target(%dma_start3A_98 : memref<10112x128xf32, #tpu.memory_space<vmem_shared>>) offsets(%dma_start3A_95 : memref<128xi32, #tpu.memory_space<vmem>>) semaphore(%run_scoped3A : memref<!tpu.dma_semaphore, #tpu.memory_space<semaphore_mem>>) {add = true}
          %dma_wait3A_99 = arith.constant 0 : i32
          %dma_wait3A_100 = tpu.memref_slice %arg8[%add3A_79, %dma_wait3A_99] : memref<40x128xi32, #tpu.memory_space<vmem>> -> memref<1x128xi32, #tpu.memory_space<vmem>>
          %dma_wait3A_101 = tpu.memref_squeeze %dma_wait3A_100 : memref<1x128xi32, #tpu.memory_space<vmem>> -> memref<128xi32, #tpu.memory_space<vmem>>
          %dma_wait3A_102 = arith.constant 0 : i32
          %dma_wait3A_103 = arith.constant 0 : i32
          %dma_wait3A_104 = tpu.memref_slice %arg11[%dma_wait3A_102, %dma_wait3A_103] : memref<10112x128xf32, #tpu.memory_space<vmem_shared>> -> memref<10112x128xf32, #tpu.memory_space<vmem_shared>>
          tpu.wait_indirect_dma semaphore(%run_scoped3A : memref<!tpu.dma_semaphore, #tpu.memory_space<semaphore_mem>>) src(%arg10 : memref<128x128xf32, #tpu.memory_space<vmem>>) dst(%dma_wait3A_104 : memref<10112x128xf32, #tpu.memory_space<vmem_shared>>)
          tpu.yield
        }) : () -> ()
        %add3A_86 = arith.constant 2 : i32
        %add3A_87 = arith.addi %add3A_79, %add3A_86 : i32
        %lt3A_88 = arith.constant 40 : i32
        %lt3A_89 = arith.cmpi slt, %add3A_87, %lt3A_88 : i32
        %convert_element_type3A_90 = arith.extui %lt3A_89 : i1 to i32
        %cond3A_91 = arith.constant 0 : i32
        %cond3A_92 = arith.cmpi ne, %convert_element_type3A_90, %cond3A_91 : i32
        scf.if %cond3A_92 {
          %add3A_93 = arith.constant 2 : i32
          %add3A_94 = arith.addi %add3A_79, %add3A_93 : i32
          %dma_start3A_95 = arith.constant 0 : i32
          %dma_start3A_96 = tpu.memref_slice %arg7[%add3A_94, %dma_start3A_95] : memref<40x128xi32, #tpu.memory_space<vmem>> -> memref<1x128xi32, #tpu.memory_space<vmem>>
          %dma_start3A_97 = tpu.memref_squeeze %dma_start3A_96 : memref<1x128xi32, #tpu.memory_space<vmem>> -> memref<128xi32, #tpu.memory_space<vmem>>
          %dma_start3A_98 = arith.constant 0 : i32
          %dma_start3A_99 = arith.constant 0 : i32
          %dma_start3A_100 = tpu.memref_slice %arg2[%dma_start3A_98, %dma_start3A_99] : memref<10112x128xf32, #tpu.memory_space<hbm>> -> memref<10112x128xf32, #tpu.memory_space<hbm>>
          tpu.enqueue_indirect_dma source(%dma_start3A_100 : memref<10112x128xf32, #tpu.memory_space<hbm>>) target(%arg10 : memref<128x128xf32, #tpu.memory_space<vmem>>) offsets(%dma_start3A_97 : memref<128xi32, #tpu.memory_space<vmem>>) semaphore(%arg13 : memref<!tpu.dma_semaphore, #tpu.memory_space<semaphore_mem>>)
        } else {
        }
      }
      %scan3A_63 = arith.constant 20 : i32
    }
    %while3A_40 = arith.constant 1 : i32
    scf.for %while3A_42 = %while3A_38 to %while3A_34 step %while3A_40  : i32 {
      %mul3A_43 = arith.constant 40 : i32
      %mul3A_44 = arith.muli %while3A_42, %mul3A_43 : i32
      %add3A_45 = arith.addi %select_n3A_13, %mul3A_44 : i32
      "tpu.region"() ({
        %run_scoped3A = tpu.sem_alloc : memref<!tpu.dma_semaphore, #tpu.memory_space<semaphore_mem>>
        %dma_start3A_64 = arith.constant 0 : i32
        %dma_start3A_65 = tpu.memref_slice %arg3[%add3A_45, %dma_start3A_64] : memref<2560x128xi32, #tpu.memory_space<hbm>> -> memref<40x128xi32, #tpu.memory_space<hbm>>
        %dma_start3A_66 = arith.constant 0 : i32
        %dma_start3A_67 = tpu.memref_slice %arg3[%add3A_45, %dma_start3A_66] : memref<2560x128xi32, #tpu.memory_space<hbm>> -> memref<40x128xi32, #tpu.memory_space<hbm>>
        tpu.enqueue_dma source(%dma_start3A_67 : memref<40x128xi32, #tpu.memory_space<hbm>>) target(%arg7 : memref<40x128xi32, #tpu.memory_space<vmem>>) target_semaphore(%run_scoped3A : memref<!tpu.dma_semaphore, #tpu.memory_space<semaphore_mem>>)
        %dma_wait3A = arith.constant 0 : i32
        %dma_wait3A_68 = tpu.memref_slice %arg3[%add3A_45, %dma_wait3A] : memref<2560x128xi32, #tpu.memory_space<hbm>> -> memref<40x128xi32, #tpu.memory_space<hbm>>
        %dma_wait3A_69 = arith.constant 0 : i32
        %dma_wait3A_70 = tpu.memref_slice %arg3[%add3A_45, %dma_wait3A_69] : memref<2560x128xi32, #tpu.memory_space<hbm>> -> memref<40x128xi32, #tpu.memory_space<hbm>>
        tpu.wait_dma2 semaphore(%run_scoped3A : memref<!tpu.dma_semaphore, #tpu.memory_space<semaphore_mem>>) src(%dma_wait3A_70 : memref<40x128xi32, #tpu.memory_space<hbm>>) dst(%arg7 : memref<40x128xi32, #tpu.memory_space<vmem>>)
        tpu.yield
      }) : () -> ()
      "tpu.region"() ({
        %run_scoped3A = tpu.sem_alloc : memref<!tpu.dma_semaphore, #tpu.memory_space<semaphore_mem>>
        %dma_start3A_64 = arith.constant 0 : i32
        %dma_start3A_65 = tpu.memref_slice %arg4[%add3A_45, %dma_start3A_64] : memref<2560x128xi32, #tpu.memory_space<hbm>> -> memref<40x128xi32, #tpu.memory_space<hbm>>
        %dma_start3A_66 = arith.constant 0 : i32
        %dma_start3A_67 = tpu.memref_slice %arg4[%add3A_45, %dma_start3A_66] : memref<2560x128xi32, #tpu.memory_space<hbm>> -> memref<40x128xi32, #tpu.memory_space<hbm>>
        tpu.enqueue_dma source(%dma_start3A_67 : memref<40x128xi32, #tpu.memory_space<hbm>>) target(%arg8 : memref<40x128xi32, #tpu.memory_space<vmem>>) target_semaphore(%run_scoped3A : memref<!tpu.dma_semaphore, #tpu.memory_space<semaphore_mem>>)
        %dma_wait3A = arith.constant 0 : i32
        %dma_wait3A_68 = tpu.memref_slice %arg4[%add3A_45, %dma_wait3A] : memref<2560x128xi32, #tpu.memory_space<hbm>> -> memref<40x128xi32, #tpu.memory_space<hbm>>
        %dma_wait3A_69 = arith.constant 0 : i32
        %dma_wait3A_70 = tpu.memref_slice %arg4[%add3A_45, %dma_wait3A_69] : memref<2560x128xi32, #tpu.memory_space<hbm>> -> memref<40x128xi32, #tpu.memory_space<hbm>>
        tpu.wait_dma2 semaphore(%run_scoped3A : memref<!tpu.dma_semaphore, #tpu.memory_space<semaphore_mem>>) src(%dma_wait3A_70 : memref<40x128xi32, #tpu.memory_space<hbm>>) dst(%arg8 : memref<40x128xi32, #tpu.memory_space<vmem>>)
        tpu.yield
      }) : () -> ()
      %dma_start3A = arith.constant 0 : i32
      %dma_start3A_46 = arith.constant 0 : i32
      %dma_start3A_47 = tpu.memref_slice %arg7[%dma_start3A, %dma_start3A_46] : memref<40x128xi32, #tpu.memory_space<vmem>> -> memref<1x128xi32, #tpu.memory_space<vmem>>
      %dma_start3A_48 = tpu.memref_squeeze %dma_start3A_47 : memref<1x128xi32, #tpu.memory_space<vmem>> -> memref<128xi32, #tpu.memory_space<vmem>>
      %dma_start3A_49 = arith.constant 0 : i32
      %dma_start3A_50 = arith.constant 0 : i32
      %dma_start3A_51 = tpu.memref_slice %arg2[%dma_start3A_49, %dma_start3A_50] : memref<10112x128xf32, #tpu.memory_space<hbm>> -> memref<10112x128xf32, #tpu.memory_space<hbm>>
      tpu.enqueue_indirect_dma source(%dma_start3A_51 : memref<10112x128xf32, #tpu.memory_space<hbm>>) target(%arg9 : memref<128x128xf32, #tpu.memory_space<vmem>>) offsets(%dma_start3A_48 : memref<128xi32, #tpu.memory_space<vmem>>) semaphore(%arg12 : memref<!tpu.dma_semaphore, #tpu.memory_space<semaphore_mem>>)
      %dma_start3A_52 = arith.constant 1 : i32
      %dma_start3A_53 = arith.constant 0 : i32
      %dma_start3A_54 = tpu.memref_slice %arg7[%dma_start3A_52, %dma_start3A_53] : memref<40x128xi32, #tpu.memory_space<vmem>> -> memref<1x128xi32, #tpu.memory_space<vmem>>
      %dma_start3A_55 = tpu.memref_squeeze %dma_start3A_54 : memref<1x128xi32, #tpu.memory_space<vmem>> -> memref<128xi32, #tpu.memory_space<vmem>>
      %dma_start3A_56 = arith.constant 0 : i32
      %dma_start3A_57 = arith.constant 0 : i32
      %dma_start3A_58 = tpu.memref_slice %arg2[%dma_start3A_56, %dma_start3A_57] : memref<10112x128xf32, #tpu.memory_space<hbm>> -> memref<10112x128xf32, #tpu.memory_space<hbm>>
      tpu.enqueue_indirect_dma source(%dma_start3A_58 : memref<10112x128xf32, #tpu.memory_space<hbm>>) target(%arg10 : memref<128x128xf32, #tpu.memory_space<vmem>>) offsets(%dma_start3A_55 : memref<128xi32, #tpu.memory_space<vmem>>) semaphore(%arg13 : memref<!tpu.dma_semaphore, #tpu.memory_space<semaphore_mem>>)
      %scan3A = arith.constant 0 : i32
      %scan3A_59 = arith.constant 0 : i32
      %scan3A_60 = arith.constant 20 : i32
      %scan3A_61 = arith.addi %scan3A_59, %scan3A_60 : i32
      %scan3A_62 = arith.constant 1 : i32
      scf.for %scan3A_64 = %scan3A_59 to %scan3A_61 step %scan3A_62  : i32 {
        %mul3A_65 = arith.constant 2 : i32
        %mul3A_66 = arith.muli %scan3A_64, %mul3A_65 : i32
        %add3A_67 = arith.constant 0 : i32
        %add3A_68 = arith.addi %mul3A_66, %add3A_67 : i32
        %dma_wait3A = arith.constant 0 : i32
        %dma_wait3A_69 = tpu.memref_slice %arg7[%add3A_68, %dma_wait3A] : memref<40x128xi32, #tpu.memory_space<vmem>> -> memref<1x128xi32, #tpu.memory_space<vmem>>
        %dma_wait3A_70 = tpu.memref_squeeze %dma_wait3A_69 : memref<1x128xi32, #tpu.memory_space<vmem>> -> memref<128xi32, #tpu.memory_space<vmem>>
        %dma_wait3A_71 = arith.constant 0 : i32
        %dma_wait3A_72 = arith.constant 0 : i32
        %dma_wait3A_73 = tpu.memref_slice %arg2[%dma_wait3A_71, %dma_wait3A_72] : memref<10112x128xf32, #tpu.memory_space<hbm>> -> memref<10112x128xf32, #tpu.memory_space<hbm>>
        tpu.wait_indirect_dma semaphore(%arg12 : memref<!tpu.dma_semaphore, #tpu.memory_space<semaphore_mem>>) src(%dma_wait3A_73 : memref<10112x128xf32, #tpu.memory_space<hbm>>) dst(%arg9 : memref<128x128xf32, #tpu.memory_space<vmem>>)
        "tpu.region"() ({
          %run_scoped3A = tpu.sem_alloc : memref<!tpu.dma_semaphore, #tpu.memory_space<semaphore_mem>>
          %dma_start3A_93 = arith.constant 0 : i32
          %dma_start3A_94 = tpu.memref_slice %arg8[%add3A_68, %dma_start3A_93] : memref<40x128xi32, #tpu.memory_space<vmem>> -> memref<1x128xi32, #tpu.memory_space<vmem>>
          %dma_start3A_95 = tpu.memref_squeeze %dma_start3A_94 : memref<1x128xi32, #tpu.memory_space<vmem>> -> memref<128xi32, #tpu.memory_space<vmem>>
          %dma_start3A_96 = arith.constant 0 : i32
          %dma_start3A_97 = arith.constant 0 : i32
          %dma_start3A_98 = tpu.memref_slice %arg11[%dma_start3A_96, %dma_start3A_97] : memref<10112x128xf32, #tpu.memory_space<vmem_shared>> -> memref<10112x128xf32, #tpu.memory_space<vmem_shared>>
          tpu.enqueue_indirect_dma source(%arg9 : memref<128x128xf32, #tpu.memory_space<vmem>>) target(%dma_start3A_98 : memref<10112x128xf32, #tpu.memory_space<vmem_shared>>) offsets(%dma_start3A_95 : memref<128xi32, #tpu.memory_space<vmem>>) semaphore(%run_scoped3A : memref<!tpu.dma_semaphore, #tpu.memory_space<semaphore_mem>>) {add = true}
          %dma_wait3A_99 = arith.constant 0 : i32
          %dma_wait3A_100 = tpu.memref_slice %arg8[%add3A_68, %dma_wait3A_99] : memref<40x128xi32, #tpu.memory_space<vmem>> -> memref<1x128xi32, #tpu.memory_space<vmem>>
          %dma_wait3A_101 = tpu.memref_squeeze %dma_wait3A_100 : memref<1x128xi32, #tpu.memory_space<vmem>> -> memref<128xi32, #tpu.memory_space<vmem>>
          %dma_wait3A_102 = arith.constant 0 : i32
          %dma_wait3A_103 = arith.constant 0 : i32
          %dma_wait3A_104 = tpu.memref_slice %arg11[%dma_wait3A_102, %dma_wait3A_103] : memref<10112x128xf32, #tpu.memory_space<vmem_shared>> -> memref<10112x128xf32, #tpu.memory_space<vmem_shared>>
          tpu.wait_indirect_dma semaphore(%run_scoped3A : memref<!tpu.dma_semaphore, #tpu.memory_space<semaphore_mem>>) src(%arg9 : memref<128x128xf32, #tpu.memory_space<vmem>>) dst(%dma_wait3A_104 : memref<10112x128xf32, #tpu.memory_space<vmem_shared>>)
          tpu.yield
        }) : () -> ()
        %add3A_74 = arith.constant 2 : i32
        %add3A_75 = arith.addi %add3A_68, %add3A_74 : i32
        %lt3A = arith.constant 40 : i32
        %lt3A_76 = arith.cmpi slt, %add3A_75, %lt3A : i32
        %convert_element_type3A = arith.extui %lt3A_76 : i1 to i32
        %cond3A = arith.constant 0 : i32
        %cond3A_77 = arith.cmpi ne, %convert_element_type3A, %cond3A : i32
        scf.if %cond3A_77 {
          %add3A_93 = arith.constant 2 : i32
          %add3A_94 = arith.addi %add3A_68, %add3A_93 : i32
          %dma_start3A_95 = arith.constant 0 : i32
          %dma_start3A_96 = tpu.memref_slice %arg7[%add3A_94, %dma_start3A_95] : memref<40x128xi32, #tpu.memory_space<vmem>> -> memref<1x128xi32, #tpu.memory_space<vmem>>
          %dma_start3A_97 = tpu.memref_squeeze %dma_start3A_96 : memref<1x128xi32, #tpu.memory_space<vmem>> -> memref<128xi32, #tpu.memory_space<vmem>>
          %dma_start3A_98 = arith.constant 0 : i32
          %dma_start3A_99 = arith.constant 0 : i32
          %dma_start3A_100 = tpu.memref_slice %arg2[%dma_start3A_98, %dma_start3A_99] : memref<10112x128xf32, #tpu.memory_space<hbm>> -> memref<10112x128xf32, #tpu.memory_space<hbm>>
          tpu.enqueue_indirect_dma source(%dma_start3A_100 : memref<10112x128xf32, #tpu.memory_space<hbm>>) target(%arg9 : memref<128x128xf32, #tpu.memory_space<vmem>>) offsets(%dma_start3A_97 : memref<128xi32, #tpu.memory_space<vmem>>) semaphore(%arg12 : memref<!tpu.dma_semaphore, #tpu.memory_space<semaphore_mem>>)
        } else {
        }
        %add3A_78 = arith.constant 1 : i32
        %add3A_79 = arith.addi %mul3A_66, %add3A_78 : i32
        %dma_wait3A_80 = arith.constant 0 : i32
        %dma_wait3A_81 = tpu.memref_slice %arg7[%add3A_79, %dma_wait3A_80] : memref<40x128xi32, #tpu.memory_space<vmem>> -> memref<1x128xi32, #tpu.memory_space<vmem>>
        %dma_wait3A_82 = tpu.memref_squeeze %dma_wait3A_81 : memref<1x128xi32, #tpu.memory_space<vmem>> -> memref<128xi32, #tpu.memory_space<vmem>>
        %dma_wait3A_83 = arith.constant 0 : i32
        %dma_wait3A_84 = arith.constant 0 : i32
        %dma_wait3A_85 = tpu.memref_slice %arg2[%dma_wait3A_83, %dma_wait3A_84] : memref<10112x128xf32, #tpu.memory_space<hbm>> -> memref<10112x128xf32, #tpu.memory_space<hbm>>
        tpu.wait_indirect_dma semaphore(%arg13 : memref<!tpu.dma_semaphore, #tpu.memory_space<semaphore_mem>>) src(%dma_wait3A_85 : memref<10112x128xf32, #tpu.memory_space<hbm>>) dst(%arg10 : memref<128x128xf32, #tpu.memory_space<vmem>>)
        "tpu.region"() ({
          %run_scoped3A = tpu.sem_alloc : memref<!tpu.dma_semaphore, #tpu.memory_space<semaphore_mem>>
          %dma_start3A_93 = arith.constant 0 : i32
          %dma_start3A_94 = tpu.memref_slice %arg8[%add3A_79, %dma_start3A_93] : memref<40x128xi32, #tpu.memory_space<vmem>> -> memref<1x128xi32, #tpu.memory_space<vmem>>
          %dma_start3A_95 = tpu.memref_squeeze %dma_start3A_94 : memref<1x128xi32, #tpu.memory_space<vmem>> -> memref<128xi32, #tpu.memory_space<vmem>>
          %dma_start3A_96 = arith.constant 0 : i32
          %dma_start3A_97 = arith.constant 0 : i32
          %dma_start3A_98 = tpu.memref_slice %arg11[%dma_start3A_96, %dma_start3A_97] : memref<10112x128xf32, #tpu.memory_space<vmem_shared>> -> memref<10112x128xf32, #tpu.memory_space<vmem_shared>>
          tpu.enqueue_indirect_dma source(%arg10 : memref<128x128xf32, #tpu.memory_space<vmem>>) target(%dma_start3A_98 : memref<10112x128xf32, #tpu.memory_space<vmem_shared>>) offsets(%dma_start3A_95 : memref<128xi32, #tpu.memory_space<vmem>>) semaphore(%run_scoped3A : memref<!tpu.dma_semaphore, #tpu.memory_space<semaphore_mem>>) {add = true}
          %dma_wait3A_99 = arith.constant 0 : i32
          %dma_wait3A_100 = tpu.memref_slice %arg8[%add3A_79, %dma_wait3A_99] : memref<40x128xi32, #tpu.memory_space<vmem>> -> memref<1x128xi32, #tpu.memory_space<vmem>>
          %dma_wait3A_101 = tpu.memref_squeeze %dma_wait3A_100 : memref<1x128xi32, #tpu.memory_space<vmem>> -> memref<128xi32, #tpu.memory_space<vmem>>
          %dma_wait3A_102 = arith.constant 0 : i32
          %dma_wait3A_103 = arith.constant 0 : i32
          %dma_wait3A_104 = tpu.memref_slice %arg11[%dma_wait3A_102, %dma_wait3A_103] : memref<10112x128xf32, #tpu.memory_space<vmem_shared>> -> memref<10112x128xf32, #tpu.memory_space<vmem_shared>>
          tpu.wait_indirect_dma semaphore(%run_scoped3A : memref<!tpu.dma_semaphore, #tpu.memory_space<semaphore_mem>>) src(%arg10 : memref<128x128xf32, #tpu.memory_space<vmem>>) dst(%dma_wait3A_104 : memref<10112x128xf32, #tpu.memory_space<vmem_shared>>)
          tpu.yield
        }) : () -> ()
        %add3A_86 = arith.constant 2 : i32
        %add3A_87 = arith.addi %add3A_79, %add3A_86 : i32
        %lt3A_88 = arith.constant 40 : i32
        %lt3A_89 = arith.cmpi slt, %add3A_87, %lt3A_88 : i32
        %convert_element_type3A_90 = arith.extui %lt3A_89 : i1 to i32
        %cond3A_91 = arith.constant 0 : i32
        %cond3A_92 = arith.cmpi ne, %convert_element_type3A_90, %cond3A_91 : i32
        scf.if %cond3A_92 {
          %add3A_93 = arith.constant 2 : i32
          %add3A_94 = arith.addi %add3A_79, %add3A_93 : i32
          %dma_start3A_95 = arith.constant 0 : i32
          %dma_start3A_96 = tpu.memref_slice %arg7[%add3A_94, %dma_start3A_95] : memref<40x128xi32, #tpu.memory_space<vmem>> -> memref<1x128xi32, #tpu.memory_space<vmem>>
          %dma_start3A_97 = tpu.memref_squeeze %dma_start3A_96 : memref<1x128xi32, #tpu.memory_space<vmem>> -> memref<128xi32, #tpu.memory_space<vmem>>
          %dma_start3A_98 = arith.constant 0 : i32
          %dma_start3A_99 = arith.constant 0 : i32
          %dma_start3A_100 = tpu.memref_slice %arg2[%dma_start3A_98, %dma_start3A_99] : memref<10112x128xf32, #tpu.memory_space<hbm>> -> memref<10112x128xf32, #tpu.memory_space<hbm>>
          tpu.enqueue_indirect_dma source(%dma_start3A_100 : memref<10112x128xf32, #tpu.memory_space<hbm>>) target(%arg10 : memref<128x128xf32, #tpu.memory_space<vmem>>) offsets(%dma_start3A_97 : memref<128xi32, #tpu.memory_space<vmem>>) semaphore(%arg13 : memref<!tpu.dma_semaphore, #tpu.memory_space<semaphore_mem>>)
        } else {
        }
      }
      %scan3A_63 = arith.constant 20 : i32
    }
    %barrier3A_41 = arith.constant 0 : index
    tpu.barrier barrier_id(%barrier3A_41)
    "tpu.region"() ({
      %run_scoped3A = tpu.sem_alloc : memref<!tpu.dma_semaphore, #tpu.memory_space<semaphore_mem>>
      %dma_start3A = arith.constant 0 : i32
      %dma_start3A_42 = tpu.memref_slice %arg6[%arg0, %mul3A_2, %dma_start3A] : memref<2x10112x128xf32, #tpu.memory_space<hbm>> -> memref<1x632x128xf32, #tpu.memory_space<hbm>>
      %dma_start3A_43 = tpu.memref_squeeze %dma_start3A_42 : memref<1x632x128xf32, #tpu.memory_space<hbm>> -> memref<632x128xf32, #tpu.memory_space<hbm>>
      %dma_start3A_44 = arith.constant 0 : i32
      %dma_start3A_45 = tpu.memref_slice %arg11[%mul3A_2, %dma_start3A_44] : memref<10112x128xf32, #tpu.memory_space<vmem_shared>> -> memref<632x128xf32, #tpu.memory_space<vmem_shared>>
      tpu.enqueue_dma source(%dma_start3A_45 : memref<632x128xf32, #tpu.memory_space<vmem_shared>>) target(%dma_start3A_43 : memref<632x128xf32, #tpu.memory_space<hbm>>) target_semaphore(%run_scoped3A : memref<!tpu.dma_semaphore, #tpu.memory_space<semaphore_mem>>)
      %dma_wait3A = arith.constant 0 : i32
      %dma_wait3A_46 = tpu.memref_slice %arg6[%arg0, %mul3A_2, %dma_wait3A] : memref<2x10112x128xf32, #tpu.memory_space<hbm>> -> memref<1x632x128xf32, #tpu.memory_space<hbm>>
      %dma_wait3A_47 = tpu.memref_squeeze %dma_wait3A_46 : memref<1x632x128xf32, #tpu.memory_space<hbm>> -> memref<632x128xf32, #tpu.memory_space<hbm>>
      %dma_wait3A_48 = arith.constant 0 : i32
      %dma_wait3A_49 = tpu.memref_slice %arg11[%mul3A_2, %dma_wait3A_48] : memref<10112x128xf32, #tpu.memory_space<vmem_shared>> -> memref<632x128xf32, #tpu.memory_space<vmem_shared>>
      tpu.wait_dma2 semaphore(%run_scoped3A : memref<!tpu.dma_semaphore, #tpu.memory_space<semaphore_mem>>) src(%dma_wait3A_49 : memref<632x128xf32, #tpu.memory_space<vmem_shared>>) dst(%dma_wait3A_47 : memref<632x128xf32, #tpu.memory_space<hbm>>)
      tpu.yield
    }) : () -> ()
    return
  }
}

#map = affine_map<(d0, d1) -> (0, 0)>
#map1 = affine_map<(d0, d1) -> (0, 0, 0)>
module attributes {stable_mosaic.version = 14 : i64} {
  func.func @gcn_sc_agg(%arg0: i32, %arg1: i32, %arg2: memref<10112x128xf32, #tpu.memory_space<hbm>>, %arg3: memref<2560x128xi32, #tpu.memory_space<hbm>>, %arg4: memref<2560x128xi32, #tpu.memory_space<hbm>>, %arg5: memref<632x128xf32, #tpu.memory_space<hbm>>, %arg6: memref<2x10112x128xf32, #tpu.memory_space<hbm>>, %arg7: memref<40x128xi32, #tpu.memory_space<vmem>>, %arg8: memref<40x128xi32, #tpu.memory_space<vmem>>, %arg9: memref<128x128xf32, #tpu.memory_space<vmem>>, %arg10: memref<128x128xf32, #tpu.memory_space<vmem>>, %arg11: memref<10112x128xf32, #tpu.memory_space<vmem_shared>>, %arg12: memref<!tpu.dma_semaphore, #tpu.memory_space<semaphore_mem>>, %arg13: memref<!tpu.dma_semaphore, #tpu.memory_space<semaphore_mem>>) attributes {dimension_semantics = [#tpu.dimension_semantics<core_parallel>, #tpu.dimension_semantics<subcore_parallel>], iteration_bounds = array<i64: 2, 16>, scalar_prefetch = 0 : i64, scratch_operands = 7 : i64, tpu.core_type = #tpu.core_type<sc_vector_subcore>, window_params = [{transform_indices = #map}, {transform_indices = #map}, {transform_indices = #map}, {transform_indices = #map}, {transform_indices = #map1}]} {
    %mul3A = arith.constant 2 : i32
    %mul3A_0 = arith.muli %arg1, %mul3A : i32
    %add3A = arith.addi %mul3A_0, %arg0 : i32
    %mul3A_1 = arith.constant 632 : i32
    %mul3A_2 = arith.muli %arg1, %mul3A_1 : i32
    "tpu.region"() ({
      %run_scoped3A = tpu.sem_alloc : memref<!tpu.dma_semaphore, #tpu.memory_space<semaphore_mem>>
      %dma_start3A = arith.constant 0 : i32
      %dma_start3A_42 = tpu.memref_slice %arg11[%mul3A_2, %dma_start3A] : memref<10112x128xf32, #tpu.memory_space<vmem_shared>> -> memref<632x128xf32, #tpu.memory_space<vmem_shared>>
      tpu.enqueue_dma source(%arg5 : memref<632x128xf32, #tpu.memory_space<hbm>>) target(%dma_start3A_42 : memref<632x128xf32, #tpu.memory_space<vmem_shared>>) target_semaphore(%run_scoped3A : memref<!tpu.dma_semaphore, #tpu.memory_space<semaphore_mem>>)
      %dma_wait3A = arith.constant 0 : i32
      %dma_wait3A_43 = tpu.memref_slice %arg11[%mul3A_2, %dma_wait3A] : memref<10112x128xf32, #tpu.memory_space<vmem_shared>> -> memref<632x128xf32, #tpu.memory_space<vmem_shared>>
      tpu.wait_dma2 semaphore(%run_scoped3A : memref<!tpu.dma_semaphore, #tpu.memory_space<semaphore_mem>>) src(%arg5 : memref<632x128xf32, #tpu.memory_space<hbm>>) dst(%dma_wait3A_43 : memref<632x128xf32, #tpu.memory_space<vmem_shared>>)
      tpu.yield
    }) : () -> ()
    %barrier3A = arith.constant 0 : index
    tpu.barrier barrier_id(%barrier3A)
    %eq3A = arith.constant 0 : i32
    %eq3A_3 = arith.cmpi eq, %arg0, %eq3A : i32
    %jit3A = arith.constant 120 : i32
    %jit3A_4 = arith.constant 40 : i32
    %select_n3A = arith.select %eq3A_3, %jit3A, %jit3A_4 : i32
    %eq3A_5 = arith.constant 0 : i32
    %eq3A_6 = arith.cmpi eq, %arg0, %eq3A_5 : i32
    %mul3A_7 = arith.constant 120 : i32
    %mul3A_8 = arith.muli %arg1, %mul3A_7 : i32
    %mul3A_9 = arith.constant 40 : i32
    %mul3A_10 = arith.muli %arg1, %mul3A_9 : i32
    %add3A_11 = arith.constant 1920 : i32
    %add3A_12 = arith.addi %add3A_11, %mul3A_10 : i32
    %select_n3A_13 = arith.select %eq3A_6, %mul3A_8, %add3A_12 : i32
    %jit3A_14 = arith.constant 40 : i32
    %div3A = arith.divsi %select_n3A, %jit3A_14 : i32
    %sign3A = arith.constant 0 : i32
    %sign3A_15 = arith.cmpi sgt, %select_n3A, %sign3A : i32
    %sign3A_16 = arith.extui %sign3A_15 : i1 to i32
    %sign3A_17 = arith.constant 0 : i32
    %sign3A_18 = arith.cmpi slt, %select_n3A, %sign3A_17 : i32
    %sign3A_19 = arith.extui %sign3A_18 : i1 to i32
    %sign3A_20 = arith.subi %sign3A_16, %sign3A_19 : i32
    %sign3A_21 = arith.constant 0 : i32
    %sign3A_22 = arith.cmpi sgt, %jit3A_14, %sign3A_21 : i32
    %sign3A_23 = arith.extui %sign3A_22 : i1 to i32
    %sign3A_24 = arith.constant 0 : i32
    %sign3A_25 = arith.cmpi slt, %jit3A_14, %sign3A_24 : i32
    %sign3A_26 = arith.extui %sign3A_25 : i1 to i32
    %sign3A_27 = arith.subi %sign3A_23, %sign3A_26 : i32
    %ne3A = arith.cmpi ne, %sign3A_20, %sign3A_27 : i32
    %rem3A = arith.remsi %select_n3A, %jit3A_14 : i32
    %ne3A_28 = arith.constant 0 : i32
    %ne3A_29 = arith.cmpi ne, %rem3A, %ne3A_28 : i32
    %and3A = arith.andi %ne3A, %ne3A_29 : i1
    %sub3A = arith.constant 1 : i32
    %sub3A_30 = arith.subi %div3A, %sub3A : i32
    %select_n3A_31 = arith.select %and3A, %sub3A_30, %div3A : i32
    %while3A = arith.constant 0 : i32
    %while3A_32 = arith.constant 0 : i32
    %while3A_33 = arith.subi %select_n3A_31, %while3A_32 : i32
    %while3A_34 = arith.addi %while3A_32, %while3A_33 : i32
    %while3A_35 = arith.constant 1 : i32
    %while3A_36 = arith.divsi %while3A_33, %while3A_35 : i32
    %while3A_37 = arith.muli %while3A_36, %while3A_35 : i32
    %while3A_38 = arith.addi %while3A_32, %while3A_37 : i32
    %while3A_39 = arith.constant 1 : i32
    scf.for %while3A_42 = %while3A_32 to %while3A_38 step %while3A_39  : i32 {
      %mul3A_43 = arith.constant 40 : i32
      %mul3A_44 = arith.muli %while3A_42, %mul3A_43 : i32
      %add3A_45 = arith.addi %select_n3A_13, %mul3A_44 : i32
      "tpu.region"() ({
        %run_scoped3A = tpu.sem_alloc : memref<!tpu.dma_semaphore, #tpu.memory_space<semaphore_mem>>
        %dma_start3A_64 = arith.constant 0 : i32
        %dma_start3A_65 = tpu.memref_slice %arg3[%add3A_45, %dma_start3A_64] : memref<2560x128xi32, #tpu.memory_space<hbm>> -> memref<40x128xi32, #tpu.memory_space<hbm>>
        %dma_start3A_66 = arith.constant 0 : i32
        %dma_start3A_67 = tpu.memref_slice %arg3[%add3A_45, %dma_start3A_66] : memref<2560x128xi32, #tpu.memory_space<hbm>> -> memref<40x128xi32, #tpu.memory_space<hbm>>
        tpu.enqueue_dma source(%dma_start3A_67 : memref<40x128xi32, #tpu.memory_space<hbm>>) target(%arg7 : memref<40x128xi32, #tpu.memory_space<vmem>>) target_semaphore(%run_scoped3A : memref<!tpu.dma_semaphore, #tpu.memory_space<semaphore_mem>>)
        %dma_wait3A = arith.constant 0 : i32
        %dma_wait3A_68 = tpu.memref_slice %arg3[%add3A_45, %dma_wait3A] : memref<2560x128xi32, #tpu.memory_space<hbm>> -> memref<40x128xi32, #tpu.memory_space<hbm>>
        %dma_wait3A_69 = arith.constant 0 : i32
        %dma_wait3A_70 = tpu.memref_slice %arg3[%add3A_45, %dma_wait3A_69] : memref<2560x128xi32, #tpu.memory_space<hbm>> -> memref<40x128xi32, #tpu.memory_space<hbm>>
        tpu.wait_dma2 semaphore(%run_scoped3A : memref<!tpu.dma_semaphore, #tpu.memory_space<semaphore_mem>>) src(%dma_wait3A_70 : memref<40x128xi32, #tpu.memory_space<hbm>>) dst(%arg7 : memref<40x128xi32, #tpu.memory_space<vmem>>)
        tpu.yield
      }) : () -> ()
      "tpu.region"() ({
        %run_scoped3A = tpu.sem_alloc : memref<!tpu.dma_semaphore, #tpu.memory_space<semaphore_mem>>
        %dma_start3A_64 = arith.constant 0 : i32
        %dma_start3A_65 = tpu.memref_slice %arg4[%add3A_45, %dma_start3A_64] : memref<2560x128xi32, #tpu.memory_space<hbm>> -> memref<40x128xi32, #tpu.memory_space<hbm>>
        %dma_start3A_66 = arith.constant 0 : i32
        %dma_start3A_67 = tpu.memref_slice %arg4[%add3A_45, %dma_start3A_66] : memref<2560x128xi32, #tpu.memory_space<hbm>> -> memref<40x128xi32, #tpu.memory_space<hbm>>
        tpu.enqueue_dma source(%dma_start3A_67 : memref<40x128xi32, #tpu.memory_space<hbm>>) target(%arg8 : memref<40x128xi32, #tpu.memory_space<vmem>>) target_semaphore(%run_scoped3A : memref<!tpu.dma_semaphore, #tpu.memory_space<semaphore_mem>>)
        %dma_wait3A = arith.constant 0 : i32
        %dma_wait3A_68 = tpu.memref_slice %arg4[%add3A_45, %dma_wait3A] : memref<2560x128xi32, #tpu.memory_space<hbm>> -> memref<40x128xi32, #tpu.memory_space<hbm>>
        %dma_wait3A_69 = arith.constant 0 : i32
        %dma_wait3A_70 = tpu.memref_slice %arg4[%add3A_45, %dma_wait3A_69] : memref<2560x128xi32, #tpu.memory_space<hbm>> -> memref<40x128xi32, #tpu.memory_space<hbm>>
        tpu.wait_dma2 semaphore(%run_scoped3A : memref<!tpu.dma_semaphore, #tpu.memory_space<semaphore_mem>>) src(%dma_wait3A_70 : memref<40x128xi32, #tpu.memory_space<hbm>>) dst(%arg8 : memref<40x128xi32, #tpu.memory_space<vmem>>)
        tpu.yield
      }) : () -> ()
      %dma_start3A = arith.constant 0 : i32
      %dma_start3A_46 = arith.constant 0 : i32
      %dma_start3A_47 = tpu.memref_slice %arg7[%dma_start3A, %dma_start3A_46] : memref<40x128xi32, #tpu.memory_space<vmem>> -> memref<1x128xi32, #tpu.memory_space<vmem>>
      %dma_start3A_48 = tpu.memref_squeeze %dma_start3A_47 : memref<1x128xi32, #tpu.memory_space<vmem>> -> memref<128xi32, #tpu.memory_space<vmem>>
      %dma_start3A_49 = arith.constant 0 : i32
      %dma_start3A_50 = arith.constant 0 : i32
      %dma_start3A_51 = tpu.memref_slice %arg2[%dma_start3A_49, %dma_start3A_50] : memref<10112x128xf32, #tpu.memory_space<hbm>> -> memref<10112x128xf32, #tpu.memory_space<hbm>>
      tpu.enqueue_indirect_dma source(%dma_start3A_51 : memref<10112x128xf32, #tpu.memory_space<hbm>>) target(%arg9 : memref<128x128xf32, #tpu.memory_space<vmem>>) offsets(%dma_start3A_48 : memref<128xi32, #tpu.memory_space<vmem>>) semaphore(%arg12 : memref<!tpu.dma_semaphore, #tpu.memory_space<semaphore_mem>>)
      %dma_start3A_52 = arith.constant 1 : i32
      %dma_start3A_53 = arith.constant 0 : i32
      %dma_start3A_54 = tpu.memref_slice %arg7[%dma_start3A_52, %dma_start3A_53] : memref<40x128xi32, #tpu.memory_space<vmem>> -> memref<1x128xi32, #tpu.memory_space<vmem>>
      %dma_start3A_55 = tpu.memref_squeeze %dma_start3A_54 : memref<1x128xi32, #tpu.memory_space<vmem>> -> memref<128xi32, #tpu.memory_space<vmem>>
      %dma_start3A_56 = arith.constant 0 : i32
      %dma_start3A_57 = arith.constant 0 : i32
      %dma_start3A_58 = tpu.memref_slice %arg2[%dma_start3A_56, %dma_start3A_57] : memref<10112x128xf32, #tpu.memory_space<hbm>> -> memref<10112x128xf32, #tpu.memory_space<hbm>>
      tpu.enqueue_indirect_dma source(%dma_start3A_58 : memref<10112x128xf32, #tpu.memory_space<hbm>>) target(%arg10 : memref<128x128xf32, #tpu.memory_space<vmem>>) offsets(%dma_start3A_55 : memref<128xi32, #tpu.memory_space<vmem>>) semaphore(%arg13 : memref<!tpu.dma_semaphore, #tpu.memory_space<semaphore_mem>>)
      %scan3A = arith.constant 0 : i32
      %scan3A_59 = arith.constant 0 : i32
      %scan3A_60 = arith.constant 20 : i32
      %scan3A_61 = arith.addi %scan3A_59, %scan3A_60 : i32
      %scan3A_62 = arith.constant 1 : i32
      scf.for %scan3A_64 = %scan3A_59 to %scan3A_61 step %scan3A_62  : i32 {
        %mul3A_65 = arith.constant 2 : i32
        %mul3A_66 = arith.muli %scan3A_64, %mul3A_65 : i32
        %add3A_67 = arith.constant 0 : i32
        %add3A_68 = arith.addi %mul3A_66, %add3A_67 : i32
        %dma_wait3A = arith.constant 0 : i32
        %dma_wait3A_69 = tpu.memref_slice %arg7[%add3A_68, %dma_wait3A] : memref<40x128xi32, #tpu.memory_space<vmem>> -> memref<1x128xi32, #tpu.memory_space<vmem>>
        %dma_wait3A_70 = tpu.memref_squeeze %dma_wait3A_69 : memref<1x128xi32, #tpu.memory_space<vmem>> -> memref<128xi32, #tpu.memory_space<vmem>>
        %dma_wait3A_71 = arith.constant 0 : i32
        %dma_wait3A_72 = arith.constant 0 : i32
        %dma_wait3A_73 = tpu.memref_slice %arg2[%dma_wait3A_71, %dma_wait3A_72] : memref<10112x128xf32, #tpu.memory_space<hbm>> -> memref<10112x128xf32, #tpu.memory_space<hbm>>
        tpu.wait_indirect_dma semaphore(%arg12 : memref<!tpu.dma_semaphore, #tpu.memory_space<semaphore_mem>>) src(%dma_wait3A_73 : memref<10112x128xf32, #tpu.memory_space<hbm>>) dst(%arg9 : memref<128x128xf32, #tpu.memory_space<vmem>>)
        "tpu.region"() ({
          %run_scoped3A = tpu.sem_alloc : memref<!tpu.dma_semaphore, #tpu.memory_space<semaphore_mem>>
          %dma_start3A_93 = arith.constant 0 : i32
          %dma_start3A_94 = tpu.memref_slice %arg8[%add3A_68, %dma_start3A_93] : memref<40x128xi32, #tpu.memory_space<vmem>> -> memref<1x128xi32, #tpu.memory_space<vmem>>
          %dma_start3A_95 = tpu.memref_squeeze %dma_start3A_94 : memref<1x128xi32, #tpu.memory_space<vmem>> -> memref<128xi32, #tpu.memory_space<vmem>>
          %dma_start3A_96 = arith.constant 0 : i32
          %dma_start3A_97 = arith.constant 0 : i32
          %dma_start3A_98 = tpu.memref_slice %arg11[%dma_start3A_96, %dma_start3A_97] : memref<10112x128xf32, #tpu.memory_space<vmem_shared>> -> memref<10112x128xf32, #tpu.memory_space<vmem_shared>>
          tpu.enqueue_indirect_dma source(%arg9 : memref<128x128xf32, #tpu.memory_space<vmem>>) target(%dma_start3A_98 : memref<10112x128xf32, #tpu.memory_space<vmem_shared>>) offsets(%dma_start3A_95 : memref<128xi32, #tpu.memory_space<vmem>>) semaphore(%run_scoped3A : memref<!tpu.dma_semaphore, #tpu.memory_space<semaphore_mem>>) {add = true}
          %dma_wait3A_99 = arith.constant 0 : i32
          %dma_wait3A_100 = tpu.memref_slice %arg8[%add3A_68, %dma_wait3A_99] : memref<40x128xi32, #tpu.memory_space<vmem>> -> memref<1x128xi32, #tpu.memory_space<vmem>>
          %dma_wait3A_101 = tpu.memref_squeeze %dma_wait3A_100 : memref<1x128xi32, #tpu.memory_space<vmem>> -> memref<128xi32, #tpu.memory_space<vmem>>
          %dma_wait3A_102 = arith.constant 0 : i32
          %dma_wait3A_103 = arith.constant 0 : i32
          %dma_wait3A_104 = tpu.memref_slice %arg11[%dma_wait3A_102, %dma_wait3A_103] : memref<10112x128xf32, #tpu.memory_space<vmem_shared>> -> memref<10112x128xf32, #tpu.memory_space<vmem_shared>>
          tpu.wait_indirect_dma semaphore(%run_scoped3A : memref<!tpu.dma_semaphore, #tpu.memory_space<semaphore_mem>>) src(%arg9 : memref<128x128xf32, #tpu.memory_space<vmem>>) dst(%dma_wait3A_104 : memref<10112x128xf32, #tpu.memory_space<vmem_shared>>)
          tpu.yield
        }) : () -> ()
        %add3A_74 = arith.constant 2 : i32
        %add3A_75 = arith.addi %add3A_68, %add3A_74 : i32
        %lt3A = arith.constant 40 : i32
        %lt3A_76 = arith.cmpi slt, %add3A_75, %lt3A : i32
        %convert_element_type3A = arith.extui %lt3A_76 : i1 to i32
        %cond3A = arith.constant 0 : i32
        %cond3A_77 = arith.cmpi ne, %convert_element_type3A, %cond3A : i32
        scf.if %cond3A_77 {
          %add3A_93 = arith.constant 2 : i32
          %add3A_94 = arith.addi %add3A_68, %add3A_93 : i32
          %dma_start3A_95 = arith.constant 0 : i32
          %dma_start3A_96 = tpu.memref_slice %arg7[%add3A_94, %dma_start3A_95] : memref<40x128xi32, #tpu.memory_space<vmem>> -> memref<1x128xi32, #tpu.memory_space<vmem>>
          %dma_start3A_97 = tpu.memref_squeeze %dma_start3A_96 : memref<1x128xi32, #tpu.memory_space<vmem>> -> memref<128xi32, #tpu.memory_space<vmem>>
          %dma_start3A_98 = arith.constant 0 : i32
          %dma_start3A_99 = arith.constant 0 : i32
          %dma_start3A_100 = tpu.memref_slice %arg2[%dma_start3A_98, %dma_start3A_99] : memref<10112x128xf32, #tpu.memory_space<hbm>> -> memref<10112x128xf32, #tpu.memory_space<hbm>>
          tpu.enqueue_indirect_dma source(%dma_start3A_100 : memref<10112x128xf32, #tpu.memory_space<hbm>>) target(%arg9 : memref<128x128xf32, #tpu.memory_space<vmem>>) offsets(%dma_start3A_97 : memref<128xi32, #tpu.memory_space<vmem>>) semaphore(%arg12 : memref<!tpu.dma_semaphore, #tpu.memory_space<semaphore_mem>>)
        } else {
        }
        %add3A_78 = arith.constant 1 : i32
        %add3A_79 = arith.addi %mul3A_66, %add3A_78 : i32
        %dma_wait3A_80 = arith.constant 0 : i32
        %dma_wait3A_81 = tpu.memref_slice %arg7[%add3A_79, %dma_wait3A_80] : memref<40x128xi32, #tpu.memory_space<vmem>> -> memref<1x128xi32, #tpu.memory_space<vmem>>
        %dma_wait3A_82 = tpu.memref_squeeze %dma_wait3A_81 : memref<1x128xi32, #tpu.memory_space<vmem>> -> memref<128xi32, #tpu.memory_space<vmem>>
        %dma_wait3A_83 = arith.constant 0 : i32
        %dma_wait3A_84 = arith.constant 0 : i32
        %dma_wait3A_85 = tpu.memref_slice %arg2[%dma_wait3A_83, %dma_wait3A_84] : memref<10112x128xf32, #tpu.memory_space<hbm>> -> memref<10112x128xf32, #tpu.memory_space<hbm>>
        tpu.wait_indirect_dma semaphore(%arg13 : memref<!tpu.dma_semaphore, #tpu.memory_space<semaphore_mem>>) src(%dma_wait3A_85 : memref<10112x128xf32, #tpu.memory_space<hbm>>) dst(%arg10 : memref<128x128xf32, #tpu.memory_space<vmem>>)
        "tpu.region"() ({
          %run_scoped3A = tpu.sem_alloc : memref<!tpu.dma_semaphore, #tpu.memory_space<semaphore_mem>>
          %dma_start3A_93 = arith.constant 0 : i32
          %dma_start3A_94 = tpu.memref_slice %arg8[%add3A_79, %dma_start3A_93] : memref<40x128xi32, #tpu.memory_space<vmem>> -> memref<1x128xi32, #tpu.memory_space<vmem>>
          %dma_start3A_95 = tpu.memref_squeeze %dma_start3A_94 : memref<1x128xi32, #tpu.memory_space<vmem>> -> memref<128xi32, #tpu.memory_space<vmem>>
          %dma_start3A_96 = arith.constant 0 : i32
          %dma_start3A_97 = arith.constant 0 : i32
          %dma_start3A_98 = tpu.memref_slice %arg11[%dma_start3A_96, %dma_start3A_97] : memref<10112x128xf32, #tpu.memory_space<vmem_shared>> -> memref<10112x128xf32, #tpu.memory_space<vmem_shared>>
          tpu.enqueue_indirect_dma source(%arg10 : memref<128x128xf32, #tpu.memory_space<vmem>>) target(%dma_start3A_98 : memref<10112x128xf32, #tpu.memory_space<vmem_shared>>) offsets(%dma_start3A_95 : memref<128xi32, #tpu.memory_space<vmem>>) semaphore(%run_scoped3A : memref<!tpu.dma_semaphore, #tpu.memory_space<semaphore_mem>>) {add = true}
          %dma_wait3A_99 = arith.constant 0 : i32
          %dma_wait3A_100 = tpu.memref_slice %arg8[%add3A_79, %dma_wait3A_99] : memref<40x128xi32, #tpu.memory_space<vmem>> -> memref<1x128xi32, #tpu.memory_space<vmem>>
          %dma_wait3A_101 = tpu.memref_squeeze %dma_wait3A_100 : memref<1x128xi32, #tpu.memory_space<vmem>> -> memref<128xi32, #tpu.memory_space<vmem>>
          %dma_wait3A_102 = arith.constant 0 : i32
          %dma_wait3A_103 = arith.constant 0 : i32
          %dma_wait3A_104 = tpu.memref_slice %arg11[%dma_wait3A_102, %dma_wait3A_103] : memref<10112x128xf32, #tpu.memory_space<vmem_shared>> -> memref<10112x128xf32, #tpu.memory_space<vmem_shared>>
          tpu.wait_indirect_dma semaphore(%run_scoped3A : memref<!tpu.dma_semaphore, #tpu.memory_space<semaphore_mem>>) src(%arg10 : memref<128x128xf32, #tpu.memory_space<vmem>>) dst(%dma_wait3A_104 : memref<10112x128xf32, #tpu.memory_space<vmem_shared>>)
          tpu.yield
        }) : () -> ()
        %add3A_86 = arith.constant 2 : i32
        %add3A_87 = arith.addi %add3A_79, %add3A_86 : i32
        %lt3A_88 = arith.constant 40 : i32
        %lt3A_89 = arith.cmpi slt, %add3A_87, %lt3A_88 : i32
        %convert_element_type3A_90 = arith.extui %lt3A_89 : i1 to i32
        %cond3A_91 = arith.constant 0 : i32
        %cond3A_92 = arith.cmpi ne, %convert_element_type3A_90, %cond3A_91 : i32
        scf.if %cond3A_92 {
          %add3A_93 = arith.constant 2 : i32
          %add3A_94 = arith.addi %add3A_79, %add3A_93 : i32
          %dma_start3A_95 = arith.constant 0 : i32
          %dma_start3A_96 = tpu.memref_slice %arg7[%add3A_94, %dma_start3A_95] : memref<40x128xi32, #tpu.memory_space<vmem>> -> memref<1x128xi32, #tpu.memory_space<vmem>>
          %dma_start3A_97 = tpu.memref_squeeze %dma_start3A_96 : memref<1x128xi32, #tpu.memory_space<vmem>> -> memref<128xi32, #tpu.memory_space<vmem>>
          %dma_start3A_98 = arith.constant 0 : i32
          %dma_start3A_99 = arith.constant 0 : i32
          %dma_start3A_100 = tpu.memref_slice %arg2[%dma_start3A_98, %dma_start3A_99] : memref<10112x128xf32, #tpu.memory_space<hbm>> -> memref<10112x128xf32, #tpu.memory_space<hbm>>
          tpu.enqueue_indirect_dma source(%dma_start3A_100 : memref<10112x128xf32, #tpu.memory_space<hbm>>) target(%arg10 : memref<128x128xf32, #tpu.memory_space<vmem>>) offsets(%dma_start3A_97 : memref<128xi32, #tpu.memory_space<vmem>>) semaphore(%arg13 : memref<!tpu.dma_semaphore, #tpu.memory_space<semaphore_mem>>)
        } else {
        }
      }
      %scan3A_63 = arith.constant 20 : i32
    }
    %while3A_40 = arith.constant 1 : i32
    scf.for %while3A_42 = %while3A_38 to %while3A_34 step %while3A_40  : i32 {
      %mul3A_43 = arith.constant 40 : i32
      %mul3A_44 = arith.muli %while3A_42, %mul3A_43 : i32
      %add3A_45 = arith.addi %select_n3A_13, %mul3A_44 : i32
      "tpu.region"() ({
        %run_scoped3A = tpu.sem_alloc : memref<!tpu.dma_semaphore, #tpu.memory_space<semaphore_mem>>
        %dma_start3A_64 = arith.constant 0 : i32
        %dma_start3A_65 = tpu.memref_slice %arg3[%add3A_45, %dma_start3A_64] : memref<2560x128xi32, #tpu.memory_space<hbm>> -> memref<40x128xi32, #tpu.memory_space<hbm>>
        %dma_start3A_66 = arith.constant 0 : i32
        %dma_start3A_67 = tpu.memref_slice %arg3[%add3A_45, %dma_start3A_66] : memref<2560x128xi32, #tpu.memory_space<hbm>> -> memref<40x128xi32, #tpu.memory_space<hbm>>
        tpu.enqueue_dma source(%dma_start3A_67 : memref<40x128xi32, #tpu.memory_space<hbm>>) target(%arg7 : memref<40x128xi32, #tpu.memory_space<vmem>>) target_semaphore(%run_scoped3A : memref<!tpu.dma_semaphore, #tpu.memory_space<semaphore_mem>>)
        %dma_wait3A = arith.constant 0 : i32
        %dma_wait3A_68 = tpu.memref_slice %arg3[%add3A_45, %dma_wait3A] : memref<2560x128xi32, #tpu.memory_space<hbm>> -> memref<40x128xi32, #tpu.memory_space<hbm>>
        %dma_wait3A_69 = arith.constant 0 : i32
        %dma_wait3A_70 = tpu.memref_slice %arg3[%add3A_45, %dma_wait3A_69] : memref<2560x128xi32, #tpu.memory_space<hbm>> -> memref<40x128xi32, #tpu.memory_space<hbm>>
        tpu.wait_dma2 semaphore(%run_scoped3A : memref<!tpu.dma_semaphore, #tpu.memory_space<semaphore_mem>>) src(%dma_wait3A_70 : memref<40x128xi32, #tpu.memory_space<hbm>>) dst(%arg7 : memref<40x128xi32, #tpu.memory_space<vmem>>)
        tpu.yield
      }) : () -> ()
      "tpu.region"() ({
        %run_scoped3A = tpu.sem_alloc : memref<!tpu.dma_semaphore, #tpu.memory_space<semaphore_mem>>
        %dma_start3A_64 = arith.constant 0 : i32
        %dma_start3A_65 = tpu.memref_slice %arg4[%add3A_45, %dma_start3A_64] : memref<2560x128xi32, #tpu.memory_space<hbm>> -> memref<40x128xi32, #tpu.memory_space<hbm>>
        %dma_start3A_66 = arith.constant 0 : i32
        %dma_start3A_67 = tpu.memref_slice %arg4[%add3A_45, %dma_start3A_66] : memref<2560x128xi32, #tpu.memory_space<hbm>> -> memref<40x128xi32, #tpu.memory_space<hbm>>
        tpu.enqueue_dma source(%dma_start3A_67 : memref<40x128xi32, #tpu.memory_space<hbm>>) target(%arg8 : memref<40x128xi32, #tpu.memory_space<vmem>>) target_semaphore(%run_scoped3A : memref<!tpu.dma_semaphore, #tpu.memory_space<semaphore_mem>>)
        %dma_wait3A = arith.constant 0 : i32
        %dma_wait3A_68 = tpu.memref_slice %arg4[%add3A_45, %dma_wait3A] : memref<2560x128xi32, #tpu.memory_space<hbm>> -> memref<40x128xi32, #tpu.memory_space<hbm>>
        %dma_wait3A_69 = arith.constant 0 : i32
        %dma_wait3A_70 = tpu.memref_slice %arg4[%add3A_45, %dma_wait3A_69] : memref<2560x128xi32, #tpu.memory_space<hbm>> -> memref<40x128xi32, #tpu.memory_space<hbm>>
        tpu.wait_dma2 semaphore(%run_scoped3A : memref<!tpu.dma_semaphore, #tpu.memory_space<semaphore_mem>>) src(%dma_wait3A_70 : memref<40x128xi32, #tpu.memory_space<hbm>>) dst(%arg8 : memref<40x128xi32, #tpu.memory_space<vmem>>)
        tpu.yield
      }) : () -> ()
      %dma_start3A = arith.constant 0 : i32
      %dma_start3A_46 = arith.constant 0 : i32
      %dma_start3A_47 = tpu.memref_slice %arg7[%dma_start3A, %dma_start3A_46] : memref<40x128xi32, #tpu.memory_space<vmem>> -> memref<1x128xi32, #tpu.memory_space<vmem>>
      %dma_start3A_48 = tpu.memref_squeeze %dma_start3A_47 : memref<1x128xi32, #tpu.memory_space<vmem>> -> memref<128xi32, #tpu.memory_space<vmem>>
      %dma_start3A_49 = arith.constant 0 : i32
      %dma_start3A_50 = arith.constant 0 : i32
      %dma_start3A_51 = tpu.memref_slice %arg2[%dma_start3A_49, %dma_start3A_50] : memref<10112x128xf32, #tpu.memory_space<hbm>> -> memref<10112x128xf32, #tpu.memory_space<hbm>>
      tpu.enqueue_indirect_dma source(%dma_start3A_51 : memref<10112x128xf32, #tpu.memory_space<hbm>>) target(%arg9 : memref<128x128xf32, #tpu.memory_space<vmem>>) offsets(%dma_start3A_48 : memref<128xi32, #tpu.memory_space<vmem>>) semaphore(%arg12 : memref<!tpu.dma_semaphore, #tpu.memory_space<semaphore_mem>>)
      %dma_start3A_52 = arith.constant 1 : i32
      %dma_start3A_53 = arith.constant 0 : i32
      %dma_start3A_54 = tpu.memref_slice %arg7[%dma_start3A_52, %dma_start3A_53] : memref<40x128xi32, #tpu.memory_space<vmem>> -> memref<1x128xi32, #tpu.memory_space<vmem>>
      %dma_start3A_55 = tpu.memref_squeeze %dma_start3A_54 : memref<1x128xi32, #tpu.memory_space<vmem>> -> memref<128xi32, #tpu.memory_space<vmem>>
      %dma_start3A_56 = arith.constant 0 : i32
      %dma_start3A_57 = arith.constant 0 : i32
      %dma_start3A_58 = tpu.memref_slice %arg2[%dma_start3A_56, %dma_start3A_57] : memref<10112x128xf32, #tpu.memory_space<hbm>> -> memref<10112x128xf32, #tpu.memory_space<hbm>>
      tpu.enqueue_indirect_dma source(%dma_start3A_58 : memref<10112x128xf32, #tpu.memory_space<hbm>>) target(%arg10 : memref<128x128xf32, #tpu.memory_space<vmem>>) offsets(%dma_start3A_55 : memref<128xi32, #tpu.memory_space<vmem>>) semaphore(%arg13 : memref<!tpu.dma_semaphore, #tpu.memory_space<semaphore_mem>>)
      %scan3A = arith.constant 0 : i32
      %scan3A_59 = arith.constant 0 : i32
      %scan3A_60 = arith.constant 20 : i32
      %scan3A_61 = arith.addi %scan3A_59, %scan3A_60 : i32
      %scan3A_62 = arith.constant 1 : i32
      scf.for %scan3A_64 = %scan3A_59 to %scan3A_61 step %scan3A_62  : i32 {
        %mul3A_65 = arith.constant 2 : i32
        %mul3A_66 = arith.muli %scan3A_64, %mul3A_65 : i32
        %add3A_67 = arith.constant 0 : i32
        %add3A_68 = arith.addi %mul3A_66, %add3A_67 : i32
        %dma_wait3A = arith.constant 0 : i32
        %dma_wait3A_69 = tpu.memref_slice %arg7[%add3A_68, %dma_wait3A] : memref<40x128xi32, #tpu.memory_space<vmem>> -> memref<1x128xi32, #tpu.memory_space<vmem>>
        %dma_wait3A_70 = tpu.memref_squeeze %dma_wait3A_69 : memref<1x128xi32, #tpu.memory_space<vmem>> -> memref<128xi32, #tpu.memory_space<vmem>>
        %dma_wait3A_71 = arith.constant 0 : i32
        %dma_wait3A_72 = arith.constant 0 : i32
        %dma_wait3A_73 = tpu.memref_slice %arg2[%dma_wait3A_71, %dma_wait3A_72] : memref<10112x128xf32, #tpu.memory_space<hbm>> -> memref<10112x128xf32, #tpu.memory_space<hbm>>
        tpu.wait_indirect_dma semaphore(%arg12 : memref<!tpu.dma_semaphore, #tpu.memory_space<semaphore_mem>>) src(%dma_wait3A_73 : memref<10112x128xf32, #tpu.memory_space<hbm>>) dst(%arg9 : memref<128x128xf32, #tpu.memory_space<vmem>>)
        "tpu.region"() ({
          %run_scoped3A = tpu.sem_alloc : memref<!tpu.dma_semaphore, #tpu.memory_space<semaphore_mem>>
          %dma_start3A_93 = arith.constant 0 : i32
          %dma_start3A_94 = tpu.memref_slice %arg8[%add3A_68, %dma_start3A_93] : memref<40x128xi32, #tpu.memory_space<vmem>> -> memref<1x128xi32, #tpu.memory_space<vmem>>
          %dma_start3A_95 = tpu.memref_squeeze %dma_start3A_94 : memref<1x128xi32, #tpu.memory_space<vmem>> -> memref<128xi32, #tpu.memory_space<vmem>>
          %dma_start3A_96 = arith.constant 0 : i32
          %dma_start3A_97 = arith.constant 0 : i32
          %dma_start3A_98 = tpu.memref_slice %arg11[%dma_start3A_96, %dma_start3A_97] : memref<10112x128xf32, #tpu.memory_space<vmem_shared>> -> memref<10112x128xf32, #tpu.memory_space<vmem_shared>>
          tpu.enqueue_indirect_dma source(%arg9 : memref<128x128xf32, #tpu.memory_space<vmem>>) target(%dma_start3A_98 : memref<10112x128xf32, #tpu.memory_space<vmem_shared>>) offsets(%dma_start3A_95 : memref<128xi32, #tpu.memory_space<vmem>>) semaphore(%run_scoped3A : memref<!tpu.dma_semaphore, #tpu.memory_space<semaphore_mem>>) {add = true}
          %dma_wait3A_99 = arith.constant 0 : i32
          %dma_wait3A_100 = tpu.memref_slice %arg8[%add3A_68, %dma_wait3A_99] : memref<40x128xi32, #tpu.memory_space<vmem>> -> memref<1x128xi32, #tpu.memory_space<vmem>>
          %dma_wait3A_101 = tpu.memref_squeeze %dma_wait3A_100 : memref<1x128xi32, #tpu.memory_space<vmem>> -> memref<128xi32, #tpu.memory_space<vmem>>
          %dma_wait3A_102 = arith.constant 0 : i32
          %dma_wait3A_103 = arith.constant 0 : i32
          %dma_wait3A_104 = tpu.memref_slice %arg11[%dma_wait3A_102, %dma_wait3A_103] : memref<10112x128xf32, #tpu.memory_space<vmem_shared>> -> memref<10112x128xf32, #tpu.memory_space<vmem_shared>>
          tpu.wait_indirect_dma semaphore(%run_scoped3A : memref<!tpu.dma_semaphore, #tpu.memory_space<semaphore_mem>>) src(%arg9 : memref<128x128xf32, #tpu.memory_space<vmem>>) dst(%dma_wait3A_104 : memref<10112x128xf32, #tpu.memory_space<vmem_shared>>)
          tpu.yield
        }) : () -> ()
        %add3A_74 = arith.constant 2 : i32
        %add3A_75 = arith.addi %add3A_68, %add3A_74 : i32
        %lt3A = arith.constant 40 : i32
        %lt3A_76 = arith.cmpi slt, %add3A_75, %lt3A : i32
        %convert_element_type3A = arith.extui %lt3A_76 : i1 to i32
        %cond3A = arith.constant 0 : i32
        %cond3A_77 = arith.cmpi ne, %convert_element_type3A, %cond3A : i32
        scf.if %cond3A_77 {
          %add3A_93 = arith.constant 2 : i32
          %add3A_94 = arith.addi %add3A_68, %add3A_93 : i32
          %dma_start3A_95 = arith.constant 0 : i32
          %dma_start3A_96 = tpu.memref_slice %arg7[%add3A_94, %dma_start3A_95] : memref<40x128xi32, #tpu.memory_space<vmem>> -> memref<1x128xi32, #tpu.memory_space<vmem>>
          %dma_start3A_97 = tpu.memref_squeeze %dma_start3A_96 : memref<1x128xi32, #tpu.memory_space<vmem>> -> memref<128xi32, #tpu.memory_space<vmem>>
          %dma_start3A_98 = arith.constant 0 : i32
          %dma_start3A_99 = arith.constant 0 : i32
          %dma_start3A_100 = tpu.memref_slice %arg2[%dma_start3A_98, %dma_start3A_99] : memref<10112x128xf32, #tpu.memory_space<hbm>> -> memref<10112x128xf32, #tpu.memory_space<hbm>>
          tpu.enqueue_indirect_dma source(%dma_start3A_100 : memref<10112x128xf32, #tpu.memory_space<hbm>>) target(%arg9 : memref<128x128xf32, #tpu.memory_space<vmem>>) offsets(%dma_start3A_97 : memref<128xi32, #tpu.memory_space<vmem>>) semaphore(%arg12 : memref<!tpu.dma_semaphore, #tpu.memory_space<semaphore_mem>>)
        } else {
        }
        %add3A_78 = arith.constant 1 : i32
        %add3A_79 = arith.addi %mul3A_66, %add3A_78 : i32
        %dma_wait3A_80 = arith.constant 0 : i32
        %dma_wait3A_81 = tpu.memref_slice %arg7[%add3A_79, %dma_wait3A_80] : memref<40x128xi32, #tpu.memory_space<vmem>> -> memref<1x128xi32, #tpu.memory_space<vmem>>
        %dma_wait3A_82 = tpu.memref_squeeze %dma_wait3A_81 : memref<1x128xi32, #tpu.memory_space<vmem>> -> memref<128xi32, #tpu.memory_space<vmem>>
        %dma_wait3A_83 = arith.constant 0 : i32
        %dma_wait3A_84 = arith.constant 0 : i32
        %dma_wait3A_85 = tpu.memref_slice %arg2[%dma_wait3A_83, %dma_wait3A_84] : memref<10112x128xf32, #tpu.memory_space<hbm>> -> memref<10112x128xf32, #tpu.memory_space<hbm>>
        tpu.wait_indirect_dma semaphore(%arg13 : memref<!tpu.dma_semaphore, #tpu.memory_space<semaphore_mem>>) src(%dma_wait3A_85 : memref<10112x128xf32, #tpu.memory_space<hbm>>) dst(%arg10 : memref<128x128xf32, #tpu.memory_space<vmem>>)
        "tpu.region"() ({
          %run_scoped3A = tpu.sem_alloc : memref<!tpu.dma_semaphore, #tpu.memory_space<semaphore_mem>>
          %dma_start3A_93 = arith.constant 0 : i32
          %dma_start3A_94 = tpu.memref_slice %arg8[%add3A_79, %dma_start3A_93] : memref<40x128xi32, #tpu.memory_space<vmem>> -> memref<1x128xi32, #tpu.memory_space<vmem>>
          %dma_start3A_95 = tpu.memref_squeeze %dma_start3A_94 : memref<1x128xi32, #tpu.memory_space<vmem>> -> memref<128xi32, #tpu.memory_space<vmem>>
          %dma_start3A_96 = arith.constant 0 : i32
          %dma_start3A_97 = arith.constant 0 : i32
          %dma_start3A_98 = tpu.memref_slice %arg11[%dma_start3A_96, %dma_start3A_97] : memref<10112x128xf32, #tpu.memory_space<vmem_shared>> -> memref<10112x128xf32, #tpu.memory_space<vmem_shared>>
          tpu.enqueue_indirect_dma source(%arg10 : memref<128x128xf32, #tpu.memory_space<vmem>>) target(%dma_start3A_98 : memref<10112x128xf32, #tpu.memory_space<vmem_shared>>) offsets(%dma_start3A_95 : memref<128xi32, #tpu.memory_space<vmem>>) semaphore(%run_scoped3A : memref<!tpu.dma_semaphore, #tpu.memory_space<semaphore_mem>>) {add = true}
          %dma_wait3A_99 = arith.constant 0 : i32
          %dma_wait3A_100 = tpu.memref_slice %arg8[%add3A_79, %dma_wait3A_99] : memref<40x128xi32, #tpu.memory_space<vmem>> -> memref<1x128xi32, #tpu.memory_space<vmem>>
          %dma_wait3A_101 = tpu.memref_squeeze %dma_wait3A_100 : memref<1x128xi32, #tpu.memory_space<vmem>> -> memref<128xi32, #tpu.memory_space<vmem>>
          %dma_wait3A_102 = arith.constant 0 : i32
          %dma_wait3A_103 = arith.constant 0 : i32
          %dma_wait3A_104 = tpu.memref_slice %arg11[%dma_wait3A_102, %dma_wait3A_103] : memref<10112x128xf32, #tpu.memory_space<vmem_shared>> -> memref<10112x128xf32, #tpu.memory_space<vmem_shared>>
          tpu.wait_indirect_dma semaphore(%run_scoped3A : memref<!tpu.dma_semaphore, #tpu.memory_space<semaphore_mem>>) src(%arg10 : memref<128x128xf32, #tpu.memory_space<vmem>>) dst(%dma_wait3A_104 : memref<10112x128xf32, #tpu.memory_space<vmem_shared>>)
          tpu.yield
        }) : () -> ()
        %add3A_86 = arith.constant 2 : i32
        %add3A_87 = arith.addi %add3A_79, %add3A_86 : i32
        %lt3A_88 = arith.constant 40 : i32
        %lt3A_89 = arith.cmpi slt, %add3A_87, %lt3A_88 : i32
        %convert_element_type3A_90 = arith.extui %lt3A_89 : i1 to i32
        %cond3A_91 = arith.constant 0 : i32
        %cond3A_92 = arith.cmpi ne, %convert_element_type3A_90, %cond3A_91 : i32
        scf.if %cond3A_92 {
          %add3A_93 = arith.constant 2 : i32
          %add3A_94 = arith.addi %add3A_79, %add3A_93 : i32
          %dma_start3A_95 = arith.constant 0 : i32
          %dma_start3A_96 = tpu.memref_slice %arg7[%add3A_94, %dma_start3A_95] : memref<40x128xi32, #tpu.memory_space<vmem>> -> memref<1x128xi32, #tpu.memory_space<vmem>>
          %dma_start3A_97 = tpu.memref_squeeze %dma_start3A_96 : memref<1x128xi32, #tpu.memory_space<vmem>> -> memref<128xi32, #tpu.memory_space<vmem>>
          %dma_start3A_98 = arith.constant 0 : i32
          %dma_start3A_99 = arith.constant 0 : i32
          %dma_start3A_100 = tpu.memref_slice %arg2[%dma_start3A_98, %dma_start3A_99] : memref<10112x128xf32, #tpu.memory_space<hbm>> -> memref<10112x128xf32, #tpu.memory_space<hbm>>
          tpu.enqueue_indirect_dma source(%dma_start3A_100 : memref<10112x128xf32, #tpu.memory_space<hbm>>) target(%arg10 : memref<128x128xf32, #tpu.memory_space<vmem>>) offsets(%dma_start3A_97 : memref<128xi32, #tpu.memory_space<vmem>>) semaphore(%arg13 : memref<!tpu.dma_semaphore, #tpu.memory_space<semaphore_mem>>)
        } else {
        }
      }
      %scan3A_63 = arith.constant 20 : i32
    }
    %barrier3A_41 = arith.constant 0 : index
    tpu.barrier barrier_id(%barrier3A_41)
    "tpu.region"() ({
      %run_scoped3A = tpu.sem_alloc : memref<!tpu.dma_semaphore, #tpu.memory_space<semaphore_mem>>
      %dma_start3A = arith.constant 0 : i32
      %dma_start3A_42 = tpu.memref_slice %arg6[%arg0, %mul3A_2, %dma_start3A] : memref<2x10112x128xf32, #tpu.memory_space<hbm>> -> memref<1x632x128xf32, #tpu.memory_space<hbm>>
      %dma_start3A_43 = tpu.memref_squeeze %dma_start3A_42 : memref<1x632x128xf32, #tpu.memory_space<hbm>> -> memref<632x128xf32, #tpu.memory_space<hbm>>
      %dma_start3A_44 = arith.constant 0 : i32
      %dma_start3A_45 = tpu.memref_slice %arg11[%mul3A_2, %dma_start3A_44] : memref<10112x128xf32, #tpu.memory_space<vmem_shared>> -> memref<632x128xf32, #tpu.memory_space<vmem_shared>>
      tpu.enqueue_dma source(%dma_start3A_45 : memref<632x128xf32, #tpu.memory_space<vmem_shared>>) target(%dma_start3A_43 : memref<632x128xf32, #tpu.memory_space<hbm>>) target_semaphore(%run_scoped3A : memref<!tpu.dma_semaphore, #tpu.memory_space<semaphore_mem>>)
      %dma_wait3A = arith.constant 0 : i32
      %dma_wait3A_46 = tpu.memref_slice %arg6[%arg0, %mul3A_2, %dma_wait3A] : memref<2x10112x128xf32, #tpu.memory_space<hbm>> -> memref<1x632x128xf32, #tpu.memory_space<hbm>>
      %dma_wait3A_47 = tpu.memref_squeeze %dma_wait3A_46 : memref<1x632x128xf32, #tpu.memory_space<hbm>> -> memref<632x128xf32, #tpu.memory_space<hbm>>
      %dma_wait3A_48 = arith.constant 0 : i32
      %dma_wait3A_49 = tpu.memref_slice %arg11[%mul3A_2, %dma_wait3A_48] : memref<10112x128xf32, #tpu.memory_space<vmem_shared>> -> memref<632x128xf32, #tpu.memory_space<vmem_shared>>
      tpu.wait_dma2 semaphore(%run_scoped3A : memref<!tpu.dma_semaphore, #tpu.memory_space<semaphore_mem>>) src(%dma_wait3A_49 : memref<632x128xf32, #tpu.memory_space<vmem_shared>>) dst(%dma_wait3A_47 : memref<632x128xf32, #tpu.memory_space<hbm>>)
      tpu.yield
    }) : () -> ()
    return
  }
}

module attributes {stable_mosaic.version = 14 : i64} {
  func.func @_mm_body(%arg0: i32, %arg1: memref<1264x128xf32, #tpu.memory_space<vmem>>, %arg2: memref<128x128xf32, #tpu.memory_space<vmem>>, %arg3: memref<128xf32, #tpu.memory_space<vmem>>, %arg4: memref<1264x128xf32, #tpu.memory_space<vmem>>) attributes {dimension_semantics = [#tpu.dimension_semantics<arbitrary>], iteration_bounds = array<i64: 8>, scalar_prefetch = 0 : i64, scratch_operands = 0 : i64, tpu.core_type = #tpu.core_type<tc>, window_params = [{transform_indices = @transform_0, window_bounds = array<i64: 1264, 128>}, {pipeline_mode = #tpu.pipeline_mode<synchronous>, transform_indices = @transform_1, window_bounds = array<i64: 128, 128>}, {pipeline_mode = #tpu.pipeline_mode<synchronous>, transform_indices = @transform_2, window_bounds = array<i64: 128>}, {transform_indices = @transform_3, window_bounds = array<i64: 1264, 128>}]} {
    %get3A = arith.constant 0 : index
    %get3A_0 = arith.constant 0 : index
    %get3A_1 = vector.load %arg1[%get3A, %get3A_0] : memref<1264x128xf32, #tpu.memory_space<vmem>>, vector<1264x128xf32>
    %get3A_2 = arith.constant 0 : index
    %get3A_3 = arith.constant 0 : index
    %get3A_4 = vector.load %arg2[%get3A_2, %get3A_3] : memref<128x128xf32, #tpu.memory_space<vmem>>, vector<128x128xf32>
    %dot_general3A = arith.constant dense<0.000000e+00> : vector<1264x128xf32>
    %dot_general3A_5 = tpu.matmul %get3A_1, %get3A_4, %dot_general3A {dimension_numbers = #tpu.dot_dimension_numbers<[1], [0], [0], [1], [0, 0, 1, 1], [], []>, transpose_lhs_hint = false} : vector<1264x128xf32>, vector<128x128xf32>, vector<1264x128xf32> -> vector<1264x128xf32>
    %get3A_6 = arith.constant 0 : index
    %get3A_7 = vector.load %arg3[%get3A_6] : memref<128xf32, #tpu.memory_space<vmem>>, vector<128xf32>
    %broadcast_in_dim3A = vector.shape_cast %get3A_7 : vector<128xf32> to vector<1x128xf32>
    %add3A = vector.broadcast %broadcast_in_dim3A : vector<1x128xf32> to vector<1264x128xf32>
    %add3A_8 = arith.addf %dot_general3A_5, %add3A : vector<1264x128xf32>
    %swap3A = arith.constant 0 : index
    %swap3A_9 = arith.constant 0 : index
    %swap3A_10 = vector.load %arg4[%swap3A, %swap3A_9] : memref<1264x128xf32, #tpu.memory_space<vmem>>, vector<1264x128xf32>
    tpu.vector_store %arg4[%swap3A, %swap3A_9], %add3A_8 {strides = array<i32>} : memref<1264x128xf32, #tpu.memory_space<vmem>>, vector<1264x128xf32>,
    return
  }
  func.func @transform_0(%arg0: i32) -> (i32, i32) {
    %c0_i32 = arith.constant 0 : i32
    %c0_i32_0 = arith.constant 0 : i32
    return %arg0, %c0_i32 : i32, i32
  }
  func.func @transform_1(%arg0: i32) -> (i32, i32) {
    %c0_i32 = arith.constant 0 : i32
    %c0_i32_0 = arith.constant 0 : i32
    %c0_i32_1 = arith.constant 0 : i32
    return %c0_i32, %c0_i32_0 : i32, i32
  }
  func.func @transform_2(%arg0: i32) -> i32 {
    %c0_i32 = arith.constant 0 : i32
    %c0_i32_0 = arith.constant 0 : i32
    return %c0_i32 : i32
  }
  func.func @transform_3(%arg0: i32) -> (i32, i32) {
    %c0_i32 = arith.constant 0 : i32
    %c0_i32_0 = arith.constant 0 : i32
    return %arg0, %c0_i32 : i32, i32
  }
}

module attributes {stable_mosaic.version = 14 : i64} {
  func.func @_mid_body(%arg0: i32, %arg1: memref<2x1264x128xf32, #tpu.memory_space<vmem>>, %arg2: memref<2x1264x128xf32, #tpu.memory_space<vmem>>, %arg3: memref<1264x128xf32, #tpu.memory_space<vmem>>, %arg4: memref<128x128xf32, #tpu.memory_space<vmem>>, %arg5: memref<128xf32, #tpu.memory_space<vmem>>, %arg6: memref<1264x128xf32, #tpu.memory_space<vmem>>) attributes {dimension_semantics = [#tpu.dimension_semantics<arbitrary>], iteration_bounds = array<i64: 8>, scalar_prefetch = 0 : i64, scratch_operands = 0 : i64, tpu.core_type = #tpu.core_type<tc>, window_params = [{transform_indices = @transform_0, window_bounds = array<i64: 2, 1264, 128>}, {transform_indices = @transform_1, window_bounds = array<i64: 2, 1264, 128>}, {transform_indices = @transform_2, window_bounds = array<i64: 1264, 128>}, {pipeline_mode = #tpu.pipeline_mode<synchronous>, transform_indices = @transform_3, window_bounds = array<i64: 128, 128>}, {pipeline_mode = #tpu.pipeline_mode<synchronous>, transform_indices = @transform_4, window_bounds = array<i64: 128>}, {transform_indices = @transform_5, window_bounds = array<i64: 1264, 128>}]} {
    %get3A = arith.constant 0 : index
    %get3A_0 = arith.constant 0 : index
    %get3A_1 = arith.constant 0 : index
    %get3A_2 = vector.load %arg1[%get3A, %get3A_0, %get3A_1] : memref<2x1264x128xf32, #tpu.memory_space<vmem>>, vector<1x1264x128xf32>
    %get3A_3 = vector.shape_cast %get3A_2 : vector<1x1264x128xf32> to vector<1264x128xf32>
    %get3A_4 = arith.constant 1 : index
    %get3A_5 = arith.constant 0 : index
    %get3A_6 = arith.constant 0 : index
    %get3A_7 = vector.load %arg1[%get3A_4, %get3A_5, %get3A_6] : memref<2x1264x128xf32, #tpu.memory_space<vmem>>, vector<1x1264x128xf32>
    %get3A_8 = vector.shape_cast %get3A_7 : vector<1x1264x128xf32> to vector<1264x128xf32>
    %add3A = arith.addf %get3A_3, %get3A_8 : vector<1264x128xf32>
    %get3A_9 = arith.constant 0 : index
    %get3A_10 = arith.constant 0 : index
    %get3A_11 = vector.load %arg3[%get3A_9, %get3A_10] : memref<1264x128xf32, #tpu.memory_space<vmem>>, vector<1264x128xf32>
    %add3A_12 = arith.addf %add3A, %get3A_11 : vector<1264x128xf32>
    %get3A_13 = arith.constant 0 : index
    %get3A_14 = arith.constant 0 : index
    %get3A_15 = arith.constant 0 : index
    %get3A_16 = vector.load %arg2[%get3A_13, %get3A_14, %get3A_15] : memref<2x1264x128xf32, #tpu.memory_space<vmem>>, vector<1x1264x128xf32>
    %get3A_17 = vector.shape_cast %get3A_16 : vector<1x1264x128xf32> to vector<1264x128xf32>
    %get3A_18 = arith.constant 1 : index
    %get3A_19 = arith.constant 0 : index
    %get3A_20 = arith.constant 0 : index
    %get3A_21 = vector.load %arg2[%get3A_18, %get3A_19, %get3A_20] : memref<2x1264x128xf32, #tpu.memory_space<vmem>>, vector<1x1264x128xf32>
    %get3A_22 = vector.shape_cast %get3A_21 : vector<1x1264x128xf32> to vector<1264x128xf32>
    %add3A_23 = arith.addf %get3A_17, %get3A_22 : vector<1264x128xf32>
    %add3A_24 = arith.constant 1.000000e+00 : f32
    %add3A_25 = vector.broadcast %add3A_24 : f32 to vector<1264x128xf32>
    %add3A_26 = arith.addf %add3A_23, %add3A_25 : vector<1264x128xf32>
    %div3A = arith.divf %add3A_12, %add3A_26 : vector<1264x128xf32>
    %max3A = arith.constant 0.000000e+00 : f32
    %max3A_27 = vector.broadcast %max3A : f32 to vector<1264x128xf32>
    %max3A_28 = arith.maximumf %div3A, %max3A_27 : vector<1264x128xf32>
    %get3A_29 = arith.constant 0 : index
    %get3A_30 = arith.constant 0 : index
    %get3A_31 = vector.load %arg4[%get3A_29, %get3A_30] : memref<128x128xf32, #tpu.memory_space<vmem>>, vector<128x128xf32>
    %dot_general3A = arith.constant dense<0.000000e+00> : vector<1264x128xf32>
    %dot_general3A_32 = tpu.matmul %max3A_28, %get3A_31, %dot_general3A {dimension_numbers = #tpu.dot_dimension_numbers<[1], [0], [0], [1], [0, 0, 1, 1], [], []>, transpose_lhs_hint = false} : vector<1264x128xf32>, vector<128x128xf32>, vector<1264x128xf32> -> vector<1264x128xf32>
    %get3A_33 = arith.constant 0 : index
    %get3A_34 = vector.load %arg5[%get3A_33] : memref<128xf32, #tpu.memory_space<vmem>>, vector<128xf32>
    %broadcast_in_dim3A = vector.shape_cast %get3A_34 : vector<128xf32> to vector<1x128xf32>
    %add3A_35 = vector.broadcast %broadcast_in_dim3A : vector<1x128xf32> to vector<1264x128xf32>
    %add3A_36 = arith.addf %dot_general3A_32, %add3A_35 : vector<1264x128xf32>
    %swap3A = arith.constant 0 : index
    %swap3A_37 = arith.constant 0 : index
    %swap3A_38 = vector.load %arg6[%swap3A, %swap3A_37] : memref<1264x128xf32, #tpu.memory_space<vmem>>, vector<1264x128xf32>
    tpu.vector_store %arg6[%swap3A, %swap3A_37], %add3A_36 {strides = array<i32>} : memref<1264x128xf32, #tpu.memory_space<vmem>>, vector<1264x128xf32>,
    return
  }
  func.func @transform_0(%arg0: i32) -> (i32, i32, i32) {
    %c0_i32 = arith.constant 0 : i32
    %c0_i32_0 = arith.constant 0 : i32
    %c0_i32_1 = arith.constant 0 : i32
    return %c0_i32, %arg0, %c0_i32_0 : i32, i32, i32
  }
  func.func @transform_1(%arg0: i32) -> (i32, i32, i32) {
    %c0_i32 = arith.constant 0 : i32
    %c0_i32_0 = arith.constant 0 : i32
    %c0_i32_1 = arith.constant 0 : i32
    return %c0_i32, %arg0, %c0_i32_0 : i32, i32, i32
  }
  func.func @transform_2(%arg0: i32) -> (i32, i32) {
    %c0_i32 = arith.constant 0 : i32
    %c0_i32_0 = arith.constant 0 : i32
    return %arg0, %c0_i32 : i32, i32
  }
  func.func @transform_3(%arg0: i32) -> (i32, i32) {
    %c0_i32 = arith.constant 0 : i32
    %c0_i32_0 = arith.constant 0 : i32
    %c0_i32_1 = arith.constant 0 : i32
    return %c0_i32, %c0_i32_0 : i32, i32
  }
  func.func @transform_4(%arg0: i32) -> i32 {
    %c0_i32 = arith.constant 0 : i32
    %c0_i32_0 = arith.constant 0 : i32
    return %c0_i32 : i32
  }
  func.func @transform_5(%arg0: i32) -> (i32, i32) {
    %c0_i32 = arith.constant 0 : i32
    %c0_i32_0 = arith.constant 0 : i32
    return %arg0, %c0_i32 : i32, i32
  }
}

module attributes {stable_mosaic.version = 14 : i64} {
  func.func @_final_body(%arg0: i32, %arg1: memref<2x1264x128xf32, #tpu.memory_space<vmem>>, %arg2: memref<2x1264x128xf32, #tpu.memory_space<vmem>>, %arg3: memref<1264x128xf32, #tpu.memory_space<vmem>>, %arg4: memref<1264x128xf32, #tpu.memory_space<vmem>>) attributes {dimension_semantics = [#tpu.dimension_semantics<arbitrary>], iteration_bounds = array<i64: 8>, scalar_prefetch = 0 : i64, scratch_operands = 0 : i64, tpu.core_type = #tpu.core_type<tc>, window_params = [{transform_indices = @transform_0, window_bounds = array<i64: 2, 1264, 128>}, {transform_indices = @transform_1, window_bounds = array<i64: 2, 1264, 128>}, {transform_indices = @transform_2, window_bounds = array<i64: 1264, 128>}, {transform_indices = @transform_3, window_bounds = array<i64: 1264, 128>}]} {
    %get3A = arith.constant 0 : index
    %get3A_0 = arith.constant 0 : index
    %get3A_1 = arith.constant 0 : index
    %get3A_2 = vector.load %arg1[%get3A, %get3A_0, %get3A_1] : memref<2x1264x128xf32, #tpu.memory_space<vmem>>, vector<1x1264x128xf32>
    %get3A_3 = vector.shape_cast %get3A_2 : vector<1x1264x128xf32> to vector<1264x128xf32>
    %get3A_4 = arith.constant 1 : index
    %get3A_5 = arith.constant 0 : index
    %get3A_6 = arith.constant 0 : index
    %get3A_7 = vector.load %arg1[%get3A_4, %get3A_5, %get3A_6] : memref<2x1264x128xf32, #tpu.memory_space<vmem>>, vector<1x1264x128xf32>
    %get3A_8 = vector.shape_cast %get3A_7 : vector<1x1264x128xf32> to vector<1264x128xf32>
    %add3A = arith.addf %get3A_3, %get3A_8 : vector<1264x128xf32>
    %get3A_9 = arith.constant 0 : index
    %get3A_10 = arith.constant 0 : index
    %get3A_11 = vector.load %arg3[%get3A_9, %get3A_10] : memref<1264x128xf32, #tpu.memory_space<vmem>>, vector<1264x128xf32>
    %add3A_12 = arith.addf %add3A, %get3A_11 : vector<1264x128xf32>
    %get3A_13 = arith.constant 0 : index
    %get3A_14 = arith.constant 0 : index
    %get3A_15 = arith.constant 0 : index
    %get3A_16 = vector.load %arg2[%get3A_13, %get3A_14, %get3A_15] : memref<2x1264x128xf32, #tpu.memory_space<vmem>>, vector<1x1264x128xf32>
    %get3A_17 = vector.shape_cast %get3A_16 : vector<1x1264x128xf32> to vector<1264x128xf32>
    %get3A_18 = arith.constant 1 : index
    %get3A_19 = arith.constant 0 : index
    %get3A_20 = arith.constant 0 : index
    %get3A_21 = vector.load %arg2[%get3A_18, %get3A_19, %get3A_20] : memref<2x1264x128xf32, #tpu.memory_space<vmem>>, vector<1x1264x128xf32>
    %get3A_22 = vector.shape_cast %get3A_21 : vector<1x1264x128xf32> to vector<1264x128xf32>
    %add3A_23 = arith.addf %get3A_17, %get3A_22 : vector<1264x128xf32>
    %add3A_24 = arith.constant 1.000000e+00 : f32
    %add3A_25 = vector.broadcast %add3A_24 : f32 to vector<1264x128xf32>
    %add3A_26 = arith.addf %add3A_23, %add3A_25 : vector<1264x128xf32>
    %div3A = arith.divf %add3A_12, %add3A_26 : vector<1264x128xf32>
    %swap3A = arith.constant 0 : index
    %swap3A_27 = arith.constant 0 : index
    %swap3A_28 = vector.load %arg4[%swap3A, %swap3A_27] : memref<1264x128xf32, #tpu.memory_space<vmem>>, vector<1264x128xf32>
    tpu.vector_store %arg4[%swap3A, %swap3A_27], %div3A {strides = array<i32>} : memref<1264x128xf32, #tpu.memory_space<vmem>>, vector<1264x128xf32>,
    return
  }
  func.func @transform_0(%arg0: i32) -> (i32, i32, i32) {
    %c0_i32 = arith.constant 0 : i32
    %c0_i32_0 = arith.constant 0 : i32
    %c0_i32_1 = arith.constant 0 : i32
    return %c0_i32, %arg0, %c0_i32_0 : i32, i32, i32
  }
  func.func @transform_1(%arg0: i32) -> (i32, i32, i32) {
    %c0_i32 = arith.constant 0 : i32
    %c0_i32_0 = arith.constant 0 : i32
    %c0_i32_1 = arith.constant 0 : i32
    return %c0_i32, %arg0, %c0_i32_0 : i32, i32, i32
  }
  func.func @transform_2(%arg0: i32) -> (i32, i32) {
    %c0_i32 = arith.constant 0 : i32
    %c0_i32_0 = arith.constant 0 : i32
    return %arg0, %c0_i32 : i32, i32
  }
  func.func @transform_3(%arg0: i32) -> (i32, i32) {
    %c0_i32 = arith.constant 0 : i32
    %c0_i32_0 = arith.constant 0 : i32
    return %arg0, %c0_i32 : i32, i32
  }
}

</mosaic_0001>

<sc_bundles>
// kernel: gcn_sc_agg.4.cloned.1.call-start
scs
__scs_entry_jumppad:
0x0: {  	(pc) =	sbr.rel $0x88, $3  }
0x1: {  	(tag) =	ssettag $0x0;
	lr =	simm.s32 $0x1  }
0x2: {  	[smem:$0x3F9B] =	sst lr;
	_ =	strace $0xD0000000  }
0x3: {  	_ = 	snop  }
0x4: {  	_ = 	snop  }
0x5: {  	_ = 	snop  }
0x6: {  	_ = 	snop  }
0x7: {  	_ = 	snop  }
__scs_overlays_trampoline_lowered:
0x8: {  	[smem:$0x3FAA] =	sst s0  }
0x9: {  	[smem:$0x3FAB] =	sst s1  }
0xa: {  	[smem:$0x3FAC] =	sst s2  }
0xb: {  	[smem:$0x3FAD] =	sst s3  }
0xc: {  	[smem:$0x3FAE] =	sst s4  }
0xd: {  	[smem:$0x3FAF] =	sst s5  }
0xe: {  	[smem:$0x3FB0] =	sst s6  }
0xf: {  	[smem:$0x3FB1] =	sst s7  }
0x10: {  	[smem:$0x3FB2] =	sst s8  }
0x11: {  	[smem:$0x3FB3] =	sst s9;
	s0 =	simm.s32 @!p0 $0x0  }
0x12: {  	s1 =	sld [smem:$0x3F99];
	s0 =	simm.s32 @p0 $0x1  }
0x13: {  	[smem:$0x3FB4] =	sst s0;
	s0 =	simm.s32 @!p1 $0x0  }
0x14: {  	s2 =	sld [smem:$0x3F98];
	s0 =	simm.s32 @p1 $0x1  }
0x15: {  	[smem:$0x3FB5] =	sst s0;
	s0 =	simm.s32 @!p2 $0x0  }
0x16: {  	s3 =	sld [smem:$0x3FDB];
	s0 =	simm.s32 @p2 $0x1  }
0x17: {  	s4 =	simm.s32 $0x1BF5;
	[smem:$0x3FB7] =	sst s0  }
0x18: {  	s0 =	sld [smem:$0x3F9A];
	_ =	swait.ge [sflag:s4], $0x0  }
0x19: {  	s7 =	sld [smem:$0x3F9B]  }
0x1a: {  	s8 =	sadd.s32 $0xFFFFE003, lr  }
0x1b: {  	s9 =	sadd.s32 $0xFFFFFEF7, lr;
	s5 =	simm.s32 $0xFFFFFFFF;
	p2 =	slt.u32 s8, $0xFFFFF086  }
0x1c: {  	p1 =	slt.u32 s9, $0xF7A;
	s5 =	simm.s32 @!p2 $0x0  }
0x1d: {  	s5 =	simm.s32 @p1 $0x1;
	p0 =	seq.s32 s7, s2  }
0x1e: {  	s7 =	smul.u32 @!p0 $0xF7A, s2;
	p2 =	seq.s32 @!p0 s5, $0x0  }
0x1f: {  	s9 =	smul.u32 $0xF7A, s1;
	s8 =	simm.s32 @!p0 $0x1BF5;
	p2 =	por !p2, p0  }
0x20: {  	[sflag:s8] =	ssyncset.s32 @!p0 $0xFFFFF086;
	s6 =	sadd.s32 @!p0 s3, s7;
	s7 =	simm.s32 @!p0 $0x108  }
0x21: {  	s3 =	sadd.s32 s3, s9;
	s6 =	sadd.s32 @!p0 $0x88, s6;
	s7 =	simm.s32 @p2 $0x1082  }
0x22: {  	[simem:s7], [sflag:s8] =	dma.local @!p0 [hbm:s6], $0xF7A  }
0x23: {  	s9 =	sor.u32 $0xD0000000, s2;
	s6 =	simm.s32 $0x108;
	_ =	swait.ge @!p0 [sflag:s8], $0x0  }
0x24: {  	s3 =	sadd.s32 $0x88, s3;
	s6 =	simm.s32 @!p1 $0x1082;
	[sflag:s4] =	ssyncset.s32 $0xFFFFF086  }
0x25: {  	[simem:s6], [sflag:s4] =	dma.local [hbm:s3], $0xF7A  }
0x26: {  	[smem:$0x3F9B] =	sst s1;
	(tag) =	ssettag s2;
	_ =	strace s9  }
0x27: {  	s1 =	sld [smem:$0x3FAB]  }
0x28: {  	s2 =	sld [smem:$0x3FAC]  }
0x29: {  	s4 =	sld [smem:$0x3FAE]  }
0x2a: {  	p0 =	seq.s32 s5, $0x0;
	s5 =	sld [smem:$0x3FAF]  }
0x2b: {  	s6 =	sld [smem:$0x3FB0]  }
0x2c: {  	s7 =	sld [smem:$0x3FB1]  }
0x2d: {  	s3 =	simm.s32 $0x108;
	s8 =	sld [smem:$0x3FB2]  }
0x2e: {  	s3 =	simm.s32 @!p0 $0x1082;
	s9 =	sld [smem:$0x3FB3]  }
0x2f: {  	lr =	sadd.s32 s0, s3;
	s0 =	sld [smem:$0x3FAA]  }
0x30: {  	s3 =	sld [smem:$0x3FAD]  }
0x31: {  	[smem:$0x3FB6] =	sst s10  }
0x32: {  	s10 =	sld [smem:$0x3FB4];
	_ =	sdelay $0x3  }
0x33: {  	p0 =	seq.s32 s10, $0x1;
	s10 =	sld [smem:$0x3FB6];
	_ =	sdelay $0x3  }
0x34: {  	[smem:$0x3FB6] =	sst s10  }
0x35: {  	s10 =	sld [smem:$0x3FB5];
	_ =	sdelay $0x3  }
0x36: {  	p1 =	seq.s32 s10, $0x1;
	s10 =	sld [smem:$0x3FB6];
	_ =	sdelay $0x3  }
0x37: {  	[smem:$0x3FB6] =	sst s10  }
0x38: {  	s10 =	sld [smem:$0x3FB7]  }
0x39: {  	_ = 	snop;
	(pc) =	sbr.ind lr, $3  }
0x3a: {  	_ = 	snop  }
0x3b: {  	_ = 	snop  }
0x3c: {  	p2 =	seq.s32 s10, $0x1;
	s10 =	sld [smem:$0x3FB6]  }
0x3d: {  	_ =	shalt  }
0x3e: {  	_ =	shalt  }
0x3f: {  	_ =	shalt  }
0x40: {  	_ =	shalt  }
0x41: {  	_ =	shalt  }
0x42: {  	_ =	shalt  }
0x43: {  	_ =	shalt  }
0x44: {  	_ =	shalt  }
0x45: {  	_ =	shalt  }
0x46: {  	_ =	shalt  }
0x47: {  	_ =	shalt  }
0x48: {  	_ =	shalt  }
0x49: {  	_ =	shalt  }
0x4a: {  	_ =	shalt  }
0x4b: {  	_ =	shalt  }
0x4c: {  	_ =	shalt  }
0x4d: {  	_ =	shalt  }
0x4e: {  	_ =	shalt  }
0x4f: {  	_ =	shalt  }
0x50: {  	_ =	shalt  }
0x51: {  	_ =	shalt  }
0x52: {  	_ =	shalt  }
0x53: {  	_ =	shalt  }
0x54: {  	_ =	shalt  }
0x55: {  	_ =	shalt  }
0x56: {  	_ =	shalt  }
0x57: {  	_ =	shalt  }
0x58: {  	_ =	shalt  }
0x59: {  	_ =	shalt  }
0x5a: {  	_ =	shalt  }
0x5b: {  	_ =	shalt  }
0x5c: {  	_ =	shalt  }
0x5d: {  	_ =	shalt  }
0x5e: {  	_ =	shalt  }
0x5f: {  	_ =	shalt  }
0x60: {  	_ =	shalt  }
0x61: {  	_ =	shalt  }
0x62: {  	_ =	shalt  }
0x63: {  	_ =	shalt  }
0x64: {  	_ =	shalt  }
0x65: {  	_ =	shalt  }
0x66: {  	_ =	shalt  }
0x67: {  	_ =	shalt  }
0x68: {  	_ =	shalt  }
0x69: {  	_ =	shalt  }
0x6a: {  	_ =	shalt  }
0x6b: {  	_ =	shalt  }
0x6c: {  	_ =	shalt  }
0x6d: {  	_ =	shalt  }
0x6e: {  	_ =	shalt  }
0x6f: {  	_ =	shalt  }
0x70: {  	_ =	shalt  }
0x71: {  	_ =	shalt  }
0x72: {  	_ =	shalt  }
0x73: {  	_ =	shalt  }
0x74: {  	_ =	shalt  }
0x75: {  	_ =	shalt  }
0x76: {  	_ =	shalt  }
0x77: {  	_ =	shalt  }
0x78: {  	_ =	shalt  }
0x79: {  	_ =	shalt  }
0x7a: {  	_ =	shalt  }
0x7b: {  	_ =	shalt  }
0x7c: {  	_ =	shalt  }
0x7d: {  	_ =	shalt  }
0x7e: {  	_ =	shalt  }
0x7f: {  	_ =	shalt  }
0x80: {  	_ =	shalt  }
0x81: {  	_ =	shalt  }
0x82: {  	_ =	shalt  }
0x83: {  	_ =	shalt  }
0x84: {  	_ =	shalt  }
0x85: {  	_ =	shalt  }
0x86: {  	_ =	shalt  }
0x87: {  	_ =	shalt  }
.Lfunc_end0:
.L_simem_size_0:
called_computation.2_lowered:
.L_overlay_start_0:
0x88: {  	s2 =	sld [smem:$0x3FD9]  }
0x89: {  	s3 =	sld [smem:$0x3FFE];
	_ =	sdelay $0x1  }
0x8a: {  	s1 =	srdreg.scid  }
0x8b: {  	s0 =	sand.u32 $0x1, s1  }
0x8c: {  	s17 =	sshll.u32 s0, $0xA;
	s2 =	sadd.s32 s3, s2  }
0x8d: {  	s2 =	sadd.s32 s2, s17  }
0x8e: {  	[smem:$0x3FC2] =	sst s2  }
0x8f: {  	_ = 	snop  }
0x90: {  	s2 =	sld [smem:$0x3FD0];
	(tm) =	ssettm $0x1  }
0x91: {  	s18 =	sld [smem:$0x3FFB];
	_ =	sdelay $0x3  }
0x92: {  	_ =	strace s18  }
0x93: {  	s3 =	sld [smem:$0x3FFC];
	_ =	sdelay $0x3  }
0x94: {  	_ =	strace s3  }
0x95: {  	s3 =	sld [smem:$0x3FFD];
	_ =	sdelay $0x3  }
0x96: {  	_ =	strace s3  }
0x97: {  	_ =	strace $0x8FFFFFFF  }
0x98: {  	s19 =	sld [smem:$0x3FDB];
	_ =	sdelay $0x1  }
0x99: {  	s4 =	simm.s32 $_scs_section_size  }
0x9a: {  	s5 =	simm.s32 $_size__tile_overlayer_lowered;
	s6 =	simm.s32 $_tile_overlayer_lowered  }
0x9b: {  	s22 =	simm.s32 $0x1BFF;
	s21 =	sshll.u32 s6, $0x1;
	s3 =	sadd.s32 s4, s19  }
0x9c: {  	s7 =	simm.s32 $0x0;
	s20 =	sshll.u32 s5, $0x1;
	s5 =	sadd.s32 s21, s3  }
0x9d: {  	[timem:s7], [sflag:s22] =	dma.local [hbm:s5], s20  }
0x9e: {  	_ =	swait.ge [sflag:s22], s20  }
0x9f: {  	s4 =	ssub.s32 $0x0, s20;
	[sflag:s22] =	ssyncset.done $0x0  }
0xa0: {  	[sflag:s22] =	ssyncadd.s32 s4;
	_ =	sdelay $0x1  }
0xa1: {  	s23 =	simm.s32 $0x1B8B  }
0xa2: {  	_ =	swait.ge [sflag:s23], $0x1  }
0xa3: {  	[sflag:s23] =	ssyncset.done $0x0  }
0xa4: {  	s25 =	simm.s32 $0x1B8E;
	s24 =	sld [smem:$0x3FFE];
	[sflag:s23] =	ssyncadd.s32 $0xFFFFFFFF  }
0xa5: {  	s26 =	simm.s32 $execute0_lowered;
	[smem:$0x3FD2] =	sst s25  }
0xa6: {  	s5 =	sshll.u32 s26, $0x1;
	_ =	strace $0x80000046;
	[dreg:$0x1] =	wrdreg $0xFFFFFFFF  }
0xa7: {  	s28 =	simm.s32 $_size_execute0_lowered;
	s3 =	sadd.s32 s3, s5;
	[dreg:$0x0] =	wrdreg $0x0  }
0xa8: {  	s5 =	sshll.u32 s28, $0x1;
	[dreg:$0x2] =	wrdreg s3  }
0xa9: {  	[dreg:$0x3] =	wrdreg s5  }
0xaa: {  	[dreg:$0x4] =	wrdreg $0xC0  }
0xab: {  	_ =	task [dreg:s7], $0x5FFFF  }
0xac: {  	[dreg:$0x1] =	wrdreg $0xFFFFFFFF  }
0xad: {  	[dreg:$0x0] =	wrdreg $0x60  }
0xae: {  	[dreg:$0x2] =	wrdreg s24  }
0xaf: {  	[dreg:$0x3] =	wrdreg s2  }
0xb0: {  	[dreg:$0x4] =	wrdreg $0xA8000  }
0xb1: {  	[dreg:$0x5] =	wrdreg $0xB  }
0xb2: {  	_ =	task.clear_ibuf [dreg:s7], $0x6FFFF;
	_ =	strace $0x90000046  }
0xb3: {  	s29 =	simm.s32 $0xB;
	_ =	strace $0x80000048  }
0xb4: {  	_ =	swait.ge [sflag:s29], $0x1  }
0xb5: {  	[sflag:s29] =	ssyncadd.s32 $0xFFFFFFFF  }
0xb6: {  	_ =	strace $0x90000048  }
0xb7: {  	_ =	sfence  }
0xb8: {  	s30 =	sld [smem:$0x0];
	_ =	sdelay $0x2  }
0xb9: {  	s31 =	sshll.u32 s1, $0xD;
	s1 =	sshrl.u32 s1, $0x2  }
0xba: {  	s3 =	sand.u32 $0x4000, s31;
	s1 =	sadd.s32 s1, s30  }
0xbb: {  	s0 =	sor.u32 s3, s0;
	s1 =	sshll.u32 s1, $0x11  }
0xbc: {  	s0 =	sor.u32 s1, s0  }
0xbd: {  	s0 =	sadd.s32 $0x8F2B, s0  }
0xbe: {  	[sflag:s0] =	ssyncadd.remote.s32 $0x1  }
0xbf: {  	_ =	sfence.sel $0xFFFF  }
0xc0: {  	[dreg:$0x0] =	wrdreg $0xFFFFFFFF;
	(pc) =	sbr.abs _section_cstart, $3  }
0xc1: {  	[dreg:$0x1] =	wrdreg $0xFFFFFFFF  }
0xc2: {  	_ =	task.clear_ibuf [dreg:s7], $0x2FFFF;
	_ =	strace $0x9FFFFFFF  }
0xc3: {  	(tm) =	ssettm $0x7FFFFFFF  }
tec
execute0_lowered:
.L_overlay_start_1:
0x0: {  	(tag) =	ssettag $0x1  }
0x1: {  	s8 =	rddreg [dreg:$0x0]  }
0x2: {  	s2 =	rddreg [dreg:$0x1];
	s0 =	srdreg.scid  }
0x3: {  	s3 =	rddreg [dreg:$0x2];
	s1 =	stileid.u32  }
0x4: {  	s4 =	simm.s32 $0x0;
	s15 =	simm.s32 $0x80;
	s16 =	simm.s32 $0x2800  }
0x5: {  	s17 =	simm.s32 $0x6800;
	s18 =	simm.s32 $0x1;
	s19 =	simm.s32 $0x2  }
0x6: {  	s20 =	sand.u32 $0x1, s0;
	s0 =	rddreg [dreg:$0x3];
	s7 =	smul.u32 $0x13C00, s1  }
0x7: {  	s21 =	simm.s32 $0x2780;
	[smem:$0x7FF] =	sst s4;
	s10 =	smul.u32 $0x4F000, s1  }
0x8: {  	s5 =	sadd.s32 $0xC600, s8;
	s12 =	smul.u32 $0x28, s1;
	s31 =	sshll.u32 s1, $0x6  }
0x9: {  	s6 =	smul.u32 $0x13C000, s20;
	_ =	strace $0x80000047;
	s29 =	ssub.s32 $0x2, s20  }
0xa: {  	p0 =	seq.s32 s20, $0x0;
	s30 =	sshrl.u32 s29, $0x1;
	s10 =	sshrl.u32 s10, $0x2  }
0xb: {  	s7 =	sadd.s32 s7, s6;
	s6 =	sadd.s32 $0x2600, s8;
	s13 =	ssub.s32 s29, s30  }
0xc: {  	s14 =	sadd.s32 s10, s3;
	s10 =	smul.u32 $0x78, s1;
	s9 =	sshrl.u32 s7, $0x3  }
0xd: {  	s7 =	sadd.s32 $0x33E00, s8;
	s11 =	sadd.s32 s9, s8;
	s8 =	sadd.s32 $0x780, s12  }
0xe: {  	s9 =	sor.u32 $0x1C03, s31;
	s12 =	sshrl.u32 s14, $0x3;
	s14 =	simm.s32 $0x1400  }
0xf: {  	s8 =	smov.u32 @p0 s10;
	s10 =	sadd.s32 $0x36600, s11;
	s11 =	smax.u32 s13, $0x1  }
0x10: {  	s13 =	simm.s32 $0x3;
	p0 =	sne.s32 s20, $0x0;
	s20 =	simm.s32 $0x2700  }
.LBB2_1:
0x11: {  	[spmem:s12], [sflag:s9] =	dma.local [hbm:s7], $0x2780  }
0x12: {  	_ =	swait.ge [sflag:s13], $0x2780  }
0x13: {  	[sflag:s13] =	ssyncset.done $0x0  }
0x14: {  	[sflag:s13] =	ssyncadd.s32 $0xFFFFD880  }
0x15: {  	s22 =	simm.s32 $0x0;
	[bflag:$0x0] =	sbarrier.arrive $0xFFFF  }
.LBB2_2:
0x16: {  	s23 =	smul.u32 $0x28, s22;
	_ =	sdelay $0x1  }
0x17: {  	s23 =	sadd.s32 s8, s23  }
0x18: {  	s23 =	sshll.u32 s23, $0x4  }
0x19: {  	s25 =	simm.s32 $0x0;
	s24 =	sadd.s32 s6, s23  }
0x1a: {  	[tilespmem:s25], [sflag:$0x3] =	stream.linear.gather [hbm4b:s24+s25], $0x1400, $0x38;
	[tilespmem:$0x1E400] =	vst v63  }
0x1b: {  	_ =	swait.ge [sflag:s13], $0x1400  }
0x1c: {  	[sflag:s13] =	ssyncset.done $0x0  }
0x1d: {  	s23 =	sadd.s32 s2, s23;
	[sflag:s13] =	ssyncadd.s32 $0xFFFFEC00  }
0x1e: {  	[tilespmem:s14], [sflag:$0x3] =	stream.linear.gather [hbm4b:s23+s25], $0x1400, $0x38;
	[tilespmem:$0x1E400] =	vst v63  }
0x1f: {  	_ =	swait.ge [sflag:s13], $0x1400  }
0x20: {  	[sflag:s13] =	ssyncset.done $0x0  }
0x21: {  	[sflag:s13] =	ssyncadd.s32 $0xFFFFEC00  }
0x22: {  	[tilespmem:s16], [sflag:$0x1] =	stream.indirect.gather [hbm4b:s5+s15], $0x80, s25, s15, $0xb8;
	[tilespmem:$0x1E400] =	vst v63  }
0x23: {  	_ = 	snop  }
0x24: {  	[tilespmem:s17], [sflag:$0x2] =	stream.indirect.gather [hbm4b:s5+s15], $0x80, s15, s15, $0xb8;
	[tilespmem:$0x1E400] =	vst v63  }
0x25: {  	_ =	swait.ge [sflag:s18], $0x4000  }
0x26: {  	[sflag:s18] =	ssyncset.done $0x0  }
0x27: {  	s29 =	simm.s32 $0x1400;
	[sflag:s18] =	ssyncadd.s32 $0xFFFFC000  }
0x28: {  	[spmem:s3] =	stream.indirect.scatter.add.f32 [tilespmem:s16], [sflag:$0x3], $0x80, s29, s15, $0xb8;
	[tilespmem:$0x1E400] =	vst v63  }
0x29: {  	_ =	swait.ge [sflag:s13], $0x4000  }
0x2a: {  	[sflag:s13] =	ssyncset.done $0x0  }
0x2b: {  	s30 =	simm.s32 $0x100;
	[sflag:s13] =	ssyncadd.s32 $0xFFFFC000  }
0x2c: {  	[tilespmem:s16], [sflag:$0x1] =	stream.indirect.gather [hbm4b:s5+s15], $0x80, s30, s15, $0xb8;
	[tilespmem:$0x1E400] =	vst v63  }
0x2d: {  	_ =	swait.ge [sflag:s19], $0x4000  }
0x2e: {  	[sflag:s19] =	ssyncset.done $0x0  }
0x2f: {  	s31 =	simm.s32 $0x1480;
	[sflag:s19] =	ssyncadd.s32 $0xFFFFC000  }
0x30: {  	[spmem:s3] =	stream.indirect.scatter.add.f32 [tilespmem:s17], [sflag:$0x3], $0x80, s31, s15, $0xb8;
	[tilespmem:$0x1E400] =	vst v63  }
0x31: {  	_ =	swait.ge [sflag:s13], $0x4000  }
0x32: {  	[sflag:s13] =	ssyncset.done $0x0  }
0x33: {  	s24 =	simm.s32 $0x180;
	s23 =	simm.s32 $0x400;
	[sflag:s13] =	ssyncadd.s32 $0xFFFFC000  }
.LBB2_3:
0x34: {  	[tilespmem:s17], [sflag:$0x2] =	stream.indirect.gather [hbm4b:s5+s15], $0x80, s24, s15, $0xb8;
	[tilespmem:$0x1E400] =	vst v63  }
0x35: {  	s24 =	smov.u32 s23  }
0x36: {  	p1 =	sne.s32 s23, $0x4800;
	s23 =	sadd.s32 $0x400, s23;
	_ =	swait.ge [sflag:s18], $0x4000  }
0x37: {  	s24 =	sshra.s32 s24, $0x2;
	[sflag:s18] =	ssyncset.done $0x0  }
0x38: {  	s25 =	sadd.s32 $0x1400, s24;
	[sflag:s18] =	ssyncadd.s32 $0xFFFFC000  }
0x39: {  	[spmem:s3] =	stream.indirect.scatter.add.f32 [tilespmem:s16], [sflag:$0x3], $0x80, s25, s15, $0xb8;
	[tilespmem:$0x1E400] =	vst v63  }
0x3a: {  	_ =	swait.ge [sflag:s13], $0x4000  }
0x3b: {  	[sflag:s13] =	ssyncset.done $0x0  }
0x3c: {  	s25 =	sadd.s32 $0x100, s24;
	[sflag:s13] =	ssyncadd.s32 $0xFFFFC000  }
0x3d: {  	[tilespmem:s16], [sflag:$0x1] =	stream.indirect.gather [hbm4b:s5+s15], $0x80, s25, s15, $0xb8;
	[tilespmem:$0x1E400] =	vst v63  }
0x3e: {  	_ =	swait.ge [sflag:s19], $0x4000  }
0x3f: {  	[sflag:s19] =	ssyncset.done $0x0  }
.Ltmp0:
0x40: {  	s25 =	sadd.s32 $0x1480, s24;
	[sflag:s19] =	ssyncadd.s32 $0xFFFFC000;
	(pc) =	sbr.rel @p1 .LBB2_3-.Ltmp0, $4  }
0x41: {  	[spmem:s3] =	stream.indirect.scatter.add.f32 [tilespmem:s17], [sflag:$0x3], $0x80, s25, s15, $0xb8;
	[tilespmem:$0x1E400] =	vst v63  }
0x42: {  	_ =	swait.ge [sflag:s13], $0x4000  }
0x43: {  	[sflag:s13] =	ssyncset.done $0x0  }
0x44: {  	s24 =	sadd.s32 $0x180, s24;
	[sflag:s13] =	ssyncadd.s32 $0xFFFFC000  }
0x45: {  	[tilespmem:s17], [sflag:$0x2] =	stream.indirect.gather [hbm4b:s5+s15], $0x80, s24, s15, $0xb8;
	[tilespmem:$0x1E400] =	vst v63  }
0x46: {  	_ =	swait.ge [sflag:s18], $0x4000  }
0x47: {  	[sflag:s18] =	ssyncset.done $0x0  }
0x48: {  	[sflag:s18] =	ssyncadd.s32 $0xFFFFC000  }
0x49: {  	[spmem:s3] =	stream.indirect.scatter.add.f32 [tilespmem:s16], [sflag:$0x3], $0x80, s20, s15, $0xb8;
	[tilespmem:$0x1E400] =	vst v63  }
0x4a: {  	_ =	swait.ge [sflag:s13], $0x4000  }
0x4b: {  	[sflag:s13] =	ssyncset.done $0x0  }
0x4c: {  	[sflag:s13] =	ssyncadd.s32 $0xFFFFC000  }
0x4d: {  	p1 =	slt.u32 @!p0 s22, $0x2;
	_ =	swait.ge [sflag:s19], $0x4000  }
0x4e: {  	p1 =	por p0, !p1;
	[sflag:s19] =	ssyncset.done $0x0  }
.Ltmp1:
0x4f: {  	[sflag:s19] =	ssyncadd.s32 $0xFFFFC000;
	(pc) =	sbr.rel @!p1 .LBB2_2-.Ltmp1, $4  }
0x50: {  	[spmem:s3] =	stream.indirect.scatter.add.f32 [tilespmem:s17], [sflag:$0x3], $0x80, s21, s15, $0xb8;
	[tilespmem:$0x1E400] =	vst v63  }
0x51: {  	_ =	swait.ge [sflag:s13], $0x4000  }
0x52: {  	[sflag:s13] =	ssyncset.done $0x0  }
0x53: {  	s22 =	sadd.s32 $0x1, s22;
	[sflag:s13] =	ssyncadd.s32 $0xFFFFC000  }
0x54: {  	s4 =	sadd.s32 $0x1, s4  }
0x55: {  	p1 =	sne.s32 s4, s11  }
.Ltmp2:
0x56: {  	[bflag:$0x0] =	sbarrier.arrive $0xFFFF;
	(pc) =	sbr.rel @p1 .LBB2_1-.Ltmp2, $4  }
0x57: {  	[hbm:s10], [sflag:s9] =	dma.local [spmem:s12], $0x2780  }
0x58: {  	_ =	swait.ge [sflag:s13], $0x2780  }
0x59: {  	[sflag:s13] =	ssyncset.done $0x0  }
0x5a: {  	[sflag:s13] =	ssyncadd.s32 $0xFFFFD880  }
0x5b: {  	_ =	sfence.sel $0x180000  }
0x5c: {  	[bflag:$0x0] =	sbarrier.arrive $0xFFFF  }
0x5d: {  	p0 =	sne.s32 s1, $0x0;
	_ =	strace $0x90000047  }
0x5e: {  	s0 =	sadd.s32 @!p0 $0x100000, s0;
	[bflag:$0x2] =	sbarrier.arrive $0xFFFF  }
0x5f: {  	[sflag:s0] =	ssyncadd.tile.s32 @!p0 $0x1;
	_ =	shalt  }
.Lfunc_end2:
_tile_overlayer_lowered:
.L_overlay_start_2:
0x60: {  	(tag) =	ssettag $0x2  }
0x61: {  	s0 =	rddreg [dreg:$0x0];
	s2 =	stileid.u32  }
0x62: {  	s1 =	rddreg [dreg:$0x1];
	p0 =	sne.s32 s2, $0x0  }
0x63: {  	s3 =	rddreg [dreg:$0x2];
	[bflag:$0x3] =	sbarrier.arrive $0xFFFF;
	s2 =	simm.s32 @!p0 $0x1C03  }
0x64: {  	[timem:s3], [sflag:s2] =	dma.local @!p0 [hbm:s0], s1  }
0x65: {  	s0 =	simm.s32 @!p0 $0x3  }
0x66: {  	_ =	swait.ge @!p0 [sflag:s0], s1  }
0x67: {  	s1 =	ssub.s32 @!p0 $0x0, s1;
	[sflag:s0] =	ssyncset.done @!p0 $0x0  }
0x68: {  	[sflag:s0] =	ssyncadd.s32 @!p0 s1  }
0x69: {  	[bflag:$0x3] =	sbarrier.arrive $0xFFFF  }
0x6a: {  	_ =	shalt  }

// kernel: gcn_sc_agg.7.cloned.1.call-start
scs
__scs_entry_jumppad:
0x0: {  	(pc) =	sbr.rel $0x88, $3  }
0x1: {  	(tag) =	ssettag $0x0;
	lr =	simm.s32 $0x1  }
0x2: {  	[smem:$0x3F9B] =	sst lr;
	_ =	strace $0xD0000000  }
0x3: {  	_ = 	snop  }
0x4: {  	_ = 	snop  }
0x5: {  	_ = 	snop  }
0x6: {  	_ = 	snop  }
0x7: {  	_ = 	snop  }
__scs_overlays_trampoline_lowered:
0x8: {  	[smem:$0x3FAA] =	sst s0  }
0x9: {  	[smem:$0x3FAB] =	sst s1  }
0xa: {  	[smem:$0x3FAC] =	sst s2  }
0xb: {  	[smem:$0x3FAD] =	sst s3  }
0xc: {  	[smem:$0x3FAE] =	sst s4  }
0xd: {  	[smem:$0x3FAF] =	sst s5  }
0xe: {  	[smem:$0x3FB0] =	sst s6  }
0xf: {  	[smem:$0x3FB1] =	sst s7  }
0x10: {  	[smem:$0x3FB2] =	sst s8  }
0x11: {  	[smem:$0x3FB3] =	sst s9;
	s0 =	simm.s32 @!p0 $0x0  }
0x12: {  	s1 =	sld [smem:$0x3F99];
	s0 =	simm.s32 @p0 $0x1  }
0x13: {  	[smem:$0x3FB4] =	sst s0;
	s0 =	simm.s32 @!p1 $0x0  }
0x14: {  	s2 =	sld [smem:$0x3F98];
	s0 =	simm.s32 @p1 $0x1  }
0x15: {  	[smem:$0x3FB5] =	sst s0;
	s0 =	simm.s32 @!p2 $0x0  }
0x16: {  	s3 =	sld [smem:$0x3FDB];
	s0 =	simm.s32 @p2 $0x1  }
0x17: {  	s4 =	simm.s32 $0x1BF5;
	[smem:$0x3FB7] =	sst s0  }
0x18: {  	s0 =	sld [smem:$0x3F9A];
	_ =	swait.ge [sflag:s4], $0x0  }
0x19: {  	s7 =	sld [smem:$0x3F9B]  }
0x1a: {  	s8 =	sadd.s32 $0xFFFFE003, lr  }
0x1b: {  	s9 =	sadd.s32 $0xFFFFFEF7, lr;
	s5 =	simm.s32 $0xFFFFFFFF;
	p2 =	slt.u32 s8, $0xFFFFF086  }
0x1c: {  	p1 =	slt.u32 s9, $0xF7A;
	s5 =	simm.s32 @!p2 $0x0  }
0x1d: {  	s5 =	simm.s32 @p1 $0x1;
	p0 =	seq.s32 s7, s2  }
0x1e: {  	s7 =	smul.u32 @!p0 $0xF7A, s2;
	p2 =	seq.s32 @!p0 s5, $0x0  }
0x1f: {  	s9 =	smul.u32 $0xF7A, s1;
	s8 =	simm.s32 @!p0 $0x1BF5;
	p2 =	por !p2, p0  }
0x20: {  	[sflag:s8] =	ssyncset.s32 @!p0 $0xFFFFF086;
	s6 =	sadd.s32 @!p0 s3, s7;
	s7 =	simm.s32 @!p0 $0x108  }
0x21: {  	s3 =	sadd.s32 s3, s9;
	s6 =	sadd.s32 @!p0 $0x88, s6;
	s7 =	simm.s32 @p2 $0x1082  }
0x22: {  	[simem:s7], [sflag:s8] =	dma.local @!p0 [hbm:s6], $0xF7A  }
0x23: {  	s9 =	sor.u32 $0xD0000000, s2;
	s6 =	simm.s32 $0x108;
	_ =	swait.ge @!p0 [sflag:s8], $0x0  }
0x24: {  	s3 =	sadd.s32 $0x88, s3;
	s6 =	simm.s32 @!p1 $0x1082;
	[sflag:s4] =	ssyncset.s32 $0xFFFFF086  }
0x25: {  	[simem:s6], [sflag:s4] =	dma.local [hbm:s3], $0xF7A  }
0x26: {  	[smem:$0x3F9B] =	sst s1;
	(tag) =	ssettag s2;
	_ =	strace s9  }
0x27: {  	s1 =	sld [smem:$0x3FAB]  }
0x28: {  	s2 =	sld [smem:$0x3FAC]  }
0x29: {  	s4 =	sld [smem:$0x3FAE]  }
0x2a: {  	p0 =	seq.s32 s5, $0x0;
	s5 =	sld [smem:$0x3FAF]  }
0x2b: {  	s6 =	sld [smem:$0x3FB0]  }
0x2c: {  	s7 =	sld [smem:$0x3FB1]  }
0x2d: {  	s3 =	simm.s32 $0x108;
	s8 =	sld [smem:$0x3FB2]  }
0x2e: {  	s3 =	simm.s32 @!p0 $0x1082;
	s9 =	sld [smem:$0x3FB3]  }
0x2f: {  	lr =	sadd.s32 s0, s3;
	s0 =	sld [smem:$0x3FAA]  }
0x30: {  	s3 =	sld [smem:$0x3FAD]  }
0x31: {  	[smem:$0x3FB6] =	sst s10  }
0x32: {  	s10 =	sld [smem:$0x3FB4];
	_ =	sdelay $0x3  }
0x33: {  	p0 =	seq.s32 s10, $0x1;
	s10 =	sld [smem:$0x3FB6];
	_ =	sdelay $0x3  }
0x34: {  	[smem:$0x3FB6] =	sst s10  }
0x35: {  	s10 =	sld [smem:$0x3FB5];
	_ =	sdelay $0x3  }
0x36: {  	p1 =	seq.s32 s10, $0x1;
	s10 =	sld [smem:$0x3FB6];
	_ =	sdelay $0x3  }
0x37: {  	[smem:$0x3FB6] =	sst s10  }
0x38: {  	s10 =	sld [smem:$0x3FB7]  }
0x39: {  	_ = 	snop;
	(pc) =	sbr.ind lr, $3  }
0x3a: {  	_ = 	snop  }
0x3b: {  	_ = 	snop  }
0x3c: {  	p2 =	seq.s32 s10, $0x1;
	s10 =	sld [smem:$0x3FB6]  }
0x3d: {  	_ =	shalt  }
0x3e: {  	_ =	shalt  }
0x3f: {  	_ =	shalt  }
0x40: {  	_ =	shalt  }
0x41: {  	_ =	shalt  }
0x42: {  	_ =	shalt  }
0x43: {  	_ =	shalt  }
0x44: {  	_ =	shalt  }
0x45: {  	_ =	shalt  }
0x46: {  	_ =	shalt  }
0x47: {  	_ =	shalt  }
0x48: {  	_ =	shalt  }
0x49: {  	_ =	shalt  }
0x4a: {  	_ =	shalt  }
0x4b: {  	_ =	shalt  }
0x4c: {  	_ =	shalt  }
0x4d: {  	_ =	shalt  }
0x4e: {  	_ =	shalt  }
0x4f: {  	_ =	shalt  }
0x50: {  	_ =	shalt  }
0x51: {  	_ =	shalt  }
0x52: {  	_ =	shalt  }
0x53: {  	_ =	shalt  }
0x54: {  	_ =	shalt  }
0x55: {  	_ =	shalt  }
0x56: {  	_ =	shalt  }
0x57: {  	_ =	shalt  }
0x58: {  	_ =	shalt  }
0x59: {  	_ =	shalt  }
0x5a: {  	_ =	shalt  }
0x5b: {  	_ =	shalt  }
0x5c: {  	_ =	shalt  }
0x5d: {  	_ =	shalt  }
0x5e: {  	_ =	shalt  }
0x5f: {  	_ =	shalt  }
0x60: {  	_ =	shalt  }
0x61: {  	_ =	shalt  }
0x62: {  	_ =	shalt  }
0x63: {  	_ =	shalt  }
0x64: {  	_ =	shalt  }
0x65: {  	_ =	shalt  }
0x66: {  	_ =	shalt  }
0x67: {  	_ =	shalt  }
0x68: {  	_ =	shalt  }
0x69: {  	_ =	shalt  }
0x6a: {  	_ =	shalt  }
0x6b: {  	_ =	shalt  }
0x6c: {  	_ =	shalt  }
0x6d: {  	_ =	shalt  }
0x6e: {  	_ =	shalt  }
0x6f: {  	_ =	shalt  }
0x70: {  	_ =	shalt  }
0x71: {  	_ =	shalt  }
0x72: {  	_ =	shalt  }
0x73: {  	_ =	shalt  }
0x74: {  	_ =	shalt  }
0x75: {  	_ =	shalt  }
0x76: {  	_ =	shalt  }
0x77: {  	_ =	shalt  }
0x78: {  	_ =	shalt  }
0x79: {  	_ =	shalt  }
0x7a: {  	_ =	shalt  }
0x7b: {  	_ =	shalt  }
0x7c: {  	_ =	shalt  }
0x7d: {  	_ =	shalt  }
0x7e: {  	_ =	shalt  }
0x7f: {  	_ =	shalt  }
0x80: {  	_ =	shalt  }
0x81: {  	_ =	shalt  }
0x82: {  	_ =	shalt  }
0x83: {  	_ =	shalt  }
0x84: {  	_ =	shalt  }
0x85: {  	_ =	shalt  }
0x86: {  	_ =	shalt  }
0x87: {  	_ =	shalt  }
.Lfunc_end0:
.L_simem_size_0:
called_computation.3_lowered:
.L_overlay_start_0:
0x88: {  	s2 =	sld [smem:$0x3FD9]  }
0x89: {  	s3 =	sld [smem:$0x3FFE];
	_ =	sdelay $0x1  }
0x8a: {  	s1 =	srdreg.scid  }
0x8b: {  	s0 =	sand.u32 $0x1, s1  }
0x8c: {  	s17 =	sshll.u32 s0, $0xA;
	s2 =	sadd.s32 s3, s2  }
0x8d: {  	s2 =	sadd.s32 s2, s17  }
0x8e: {  	[smem:$0x3FC2] =	sst s2  }
0x8f: {  	_ = 	snop  }
0x90: {  	s18 =	sld [smem:$0x3FD0];
	(tm) =	ssettm $0x1  }
0x91: {  	s19 =	sld [smem:$0x3FFB];
	_ =	sdelay $0x3  }
0x92: {  	_ =	strace s19  }
0x93: {  	s2 =	sld [smem:$0x3FFC];
	_ =	sdelay $0x3  }
0x94: {  	_ =	strace s2  }
0x95: {  	s2 =	sld [smem:$0x3FFD];
	_ =	sdelay $0x3  }
0x96: {  	_ =	strace s2  }
0x97: {  	_ =	strace $0x8FFFFFFF  }
0x98: {  	s20 =	sld [smem:$0x3FDB];
	_ =	sdelay $0x1  }
0x99: {  	s4 =	simm.s32 $_scs_section_size  }
0x9a: {  	s5 =	simm.s32 $_size__tile_overlayer_lowered;
	s6 =	simm.s32 $_tile_overlayer_lowered  }
0x9b: {  	s7 =	simm.s32 $0x1BFF;
	s21 =	sshll.u32 s6, $0x1;
	s4 =	sadd.s32 s4, s20  }
0x9c: {  	s22 =	simm.s32 $0x0;
	s5 =	sshll.u32 s5, $0x1;
	s6 =	sadd.s32 s21, s4  }
0x9d: {  	[timem:s22], [sflag:s7] =	dma.local [hbm:s6], s5  }
0x9e: {  	_ =	swait.ge [sflag:s7], s5  }
0x9f: {  	s5 =	ssub.s32 $0x0, s5;
	[sflag:s7] =	ssyncset.done $0x0  }
0xa0: {  	[sflag:s7] =	ssyncadd.s32 s5;
	_ =	sdelay $0x1  }
0xa1: {  	s23 =	simm.s32 $0x1B8B  }
0xa2: {  	_ =	swait.ge [sflag:s23], $0x1  }
0xa3: {  	[sflag:s23] =	ssyncset.done $0x0  }
0xa4: {  	[sflag:s23] =	ssyncadd.s32 $0xFFFFFFFF  }
0xa5: {  	s5 =	sld [smem:$0x0]  }
0xa6: {  	s6 =	sand.u32 $0xFFFFFFFE, s1  }
0xa7: {  	p0 =	sne.s32 s1, s6  }
0xa8: {  	s6 =	sshll.u32 @p0 s6, $0xE  }
0xa9: {  	s6 =	sadd.s32 @p0 $0x11B8D, s6;
	s7 =	sshll.u32 @p0 s5, $0x11  }
0xaa: {  	s6 =	sor.u32 @p0 s7, s6  }
0xab: {  	[sflag:s6] =	ssyncadd.remote.s32 @p0 $0x1;
	_ =	sdelay $0x1  }
0xac: {  	s6 =	simm.s32 @p0 $0x1B8D  }
0xad: {  	_ =	swait.eq @p0 [sflag:s6], $0x1  }
0xae: {  	[sflag:s6] =	ssyncadd.s32 @p0 $0xFFFFFFFF  }
0xaf: {  	s7 =	sshll.u32 @!p0 s1, $0xE  }
0xb0: {  	s7 =	sor.u32 @!p0 $0x4000, s7;
	s6 =	simm.s32 @!p0 $0x1B8D  }
0xb1: {  	s5 =	sshll.u32 @!p0 s5, $0x11;
	s7 =	sadd.s32 @!p0 $0x11B8D, s7;
	_ =	swait.eq @!p0 [sflag:s6], $0x1  }
0xb2: {  	s5 =	sor.u32 @!p0 s5, s7;
	[sflag:s6] =	ssyncadd.s32 @!p0 $0xFFFFFFFF  }
0xb3: {  	s25 =	simm.s32 $0x1B8E;
	s24 =	sld [smem:$0x3FFE];
	[sflag:s5] =	ssyncadd.remote.s32 @!p0 $0x1  }
0xb4: {  	s26 =	simm.s32 $execute0_lowered;
	[smem:$0x3FD2] =	sst s25  }
0xb5: {  	s6 =	sshll.u32 s26, $0x1;
	_ =	strace $0x8000004F;
	[dreg:$0x1] =	wrdreg $0xFFFFFFFF  }
0xb6: {  	s28 =	simm.s32 $_size_execute0_lowered;
	s4 =	sadd.s32 s4, s6;
	[dreg:$0x0] =	wrdreg $0x0  }
0xb7: {  	s6 =	sshll.u32 s28, $0x1;
	[dreg:$0x2] =	wrdreg s4  }
0xb8: {  	[dreg:$0x3] =	wrdreg s6  }
0xb9: {  	[dreg:$0x4] =	wrdreg $0xC0  }
0xba: {  	_ =	task [dreg:s22], $0x5FFFF  }
0xbb: {  	[dreg:$0x1] =	wrdreg $0xFFFFFFFF  }
0xbc: {  	[dreg:$0x0] =	wrdreg $0x60  }
0xbd: {  	[dreg:$0x2] =	wrdreg s24  }
0xbe: {  	[dreg:$0x3] =	wrdreg s18  }
0xbf: {  	[dreg:$0x4] =	wrdreg $0xA8000  }
0xc0: {  	[dreg:$0x5] =	wrdreg $0xA  }
0xc1: {  	_ =	task.clear_ibuf [dreg:s22], $0x6FFFF;
	_ =	strace $0x9000004F  }
0xc2: {  	s29 =	simm.s32 $0xA;
	_ =	strace $0x80000051  }
0xc3: {  	_ =	swait.ge [sflag:s29], $0x1  }
0xc4: {  	[sflag:s29] =	ssyncadd.s32 $0xFFFFFFFF  }
0xc5: {  	_ =	strace $0x90000051  }
0xc6: {  	_ =	sfence  }
0xc7: {  	s30 =	sld [smem:$0x0];
	_ =	sdelay $0x2  }
0xc8: {  	s31 =	sshll.u32 s1, $0xD;
	s1 =	sshrl.u32 s1, $0x2  }
0xc9: {  	s4 =	sand.u32 $0x4000, s31;
	s1 =	sadd.s32 s1, s30  }
0xca: {  	s0 =	sor.u32 s4, s0;
	s1 =	sshll.u32 s1, $0x11  }
0xcb: {  	s0 =	sor.u32 s1, s0  }
0xcc: {  	s0 =	sadd.s32 $0x8F2B, s0  }
0xcd: {  	[sflag:s0] =	ssyncadd.remote.s32 $0x1  }
0xce: {  	_ =	sfence.sel $0xFFFF  }
0xcf: {  	[dreg:$0x0] =	wrdreg $0xFFFFFFFF;
	(pc) =	sbr.abs _section_cstart, $3  }
0xd0: {  	[dreg:$0x1] =	wrdreg $0xFFFFFFFF  }
0xd1: {  	_ =	task.clear_ibuf [dreg:s22], $0x2FFFF;
	_ =	strace $0x9FFFFFFF  }
0xd2: {  	(tm) =	ssettm $0x7FFFFFFF  }
0xd3: {  	_ =	shalt  }
tec
execute0_lowered:
.L_overlay_start_1:
0x0: {  	(tag) =	ssettag $0x1  }
0x1: {  	s8 =	rddreg [dreg:$0x0]  }
0x2: {  	s2 =	rddreg [dreg:$0x1];
	s0 =	srdreg.scid  }
0x3: {  	s3 =	rddreg [dreg:$0x2];
	s1 =	stileid.u32  }
0x4: {  	s4 =	simm.s32 $0x0;
	s15 =	simm.s32 $0x80;
	s16 =	simm.s32 $0x2800  }
0x5: {  	s17 =	simm.s32 $0x6800;
	s18 =	simm.s32 $0x1;
	s19 =	simm.s32 $0x2  }
0x6: {  	s20 =	sand.u32 $0x1, s0;
	s0 =	rddreg [dreg:$0x3];
	s7 =	smul.u32 $0x13C00, s1  }
0x7: {  	s21 =	simm.s32 $0x2780;
	[smem:$0x7FF] =	sst s4;
	s10 =	smul.u32 $0x4F000, s1  }
0x8: {  	s5 =	sadd.s32 $0xC600, s8;
	s12 =	smul.u32 $0x28, s1;
	s31 =	sshll.u32 s1, $0x6  }
0x9: {  	s6 =	smul.u32 $0x13C000, s20;
	_ =	strace $0x80000050;
	s29 =	ssub.s32 $0x2, s20  }
0xa: {  	p0 =	seq.s32 s20, $0x0;
	s30 =	sshrl.u32 s29, $0x1;
	s10 =	sshrl.u32 s10, $0x2  }
0xb: {  	s7 =	sadd.s32 s7, s6;
	s6 =	sadd.s32 $0x2600, s8;
	s13 =	ssub.s32 s29, s30  }
0xc: {  	s14 =	sadd.s32 s10, s3;
	s10 =	smul.u32 $0x78, s1;
	s9 =	sshrl.u32 s7, $0x3  }
0xd: {  	s7 =	sadd.s32 $0x33E00, s8;
	s11 =	sadd.s32 s9, s8;
	s8 =	sadd.s32 $0x780, s12  }
0xe: {  	s9 =	sor.u32 $0x1C03, s31;
	s12 =	sshrl.u32 s14, $0x3;
	s14 =	simm.s32 $0x1400  }
0xf: {  	s8 =	smov.u32 @p0 s10;
	s10 =	sadd.s32 $0x36600, s11;
	s11 =	smax.u32 s13, $0x1  }
0x10: {  	s13 =	simm.s32 $0x3;
	p0 =	sne.s32 s20, $0x0;
	s20 =	simm.s32 $0x2700  }
.LBB2_1:
0x11: {  	[spmem:s12], [sflag:s9] =	dma.local [hbm:s7], $0x2780  }
0x12: {  	_ =	swait.ge [sflag:s13], $0x2780  }
0x13: {  	[sflag:s13] =	ssyncset.done $0x0  }
0x14: {  	[sflag:s13] =	ssyncadd.s32 $0xFFFFD880  }
0x15: {  	s22 =	simm.s32 $0x0;
	[bflag:$0x0] =	sbarrier.arrive $0xFFFF  }
.LBB2_2:
0x16: {  	s23 =	smul.u32 $0x28, s22;
	_ =	sdelay $0x1  }
0x17: {  	s23 =	sadd.s32 s8, s23  }
0x18: {  	s23 =	sshll.u32 s23, $0x4  }
0x19: {  	s25 =	simm.s32 $0x0;
	s24 =	sadd.s32 s2, s23  }
0x1a: {  	[tilespmem:s25], [sflag:$0x3] =	stream.linear.gather [hbm4b:s24+s25], $0x1400, $0x38;
	[tilespmem:$0x1E400] =	vst v63  }
0x1b: {  	_ =	swait.ge [sflag:s13], $0x1400  }
0x1c: {  	[sflag:s13] =	ssyncset.done $0x0  }
0x1d: {  	s23 =	sadd.s32 s6, s23;
	[sflag:s13] =	ssyncadd.s32 $0xFFFFEC00  }
0x1e: {  	[tilespmem:s14], [sflag:$0x3] =	stream.linear.gather [hbm4b:s23+s25], $0x1400, $0x38;
	[tilespmem:$0x1E400] =	vst v63  }
0x1f: {  	_ =	swait.ge [sflag:s13], $0x1400  }
0x20: {  	[sflag:s13] =	ssyncset.done $0x0  }
0x21: {  	[sflag:s13] =	ssyncadd.s32 $0xFFFFEC00  }
0x22: {  	[tilespmem:s16], [sflag:$0x1] =	stream.indirect.gather [hbm4b:s5+s15], $0x80, s25, s15, $0xb8;
	[tilespmem:$0x1E400] =	vst v63  }
0x23: {  	_ = 	snop  }
0x24: {  	[tilespmem:s17], [sflag:$0x2] =	stream.indirect.gather [hbm4b:s5+s15], $0x80, s15, s15, $0xb8;
	[tilespmem:$0x1E400] =	vst v63  }
0x25: {  	_ =	swait.ge [sflag:s18], $0x4000  }
0x26: {  	[sflag:s18] =	ssyncset.done $0x0  }
0x27: {  	s29 =	simm.s32 $0x1400;
	[sflag:s18] =	ssyncadd.s32 $0xFFFFC000  }
0x28: {  	[spmem:s3] =	stream.indirect.scatter.add.f32 [tilespmem:s16], [sflag:$0x3], $0x80, s29, s15, $0xb8;
	[tilespmem:$0x1E400] =	vst v63  }
0x29: {  	_ =	swait.ge [sflag:s13], $0x4000  }
0x2a: {  	[sflag:s13] =	ssyncset.done $0x0  }
0x2b: {  	s30 =	simm.s32 $0x100;
	[sflag:s13] =	ssyncadd.s32 $0xFFFFC000  }
0x2c: {  	[tilespmem:s16], [sflag:$0x1] =	stream.indirect.gather [hbm4b:s5+s15], $0x80, s30, s15, $0xb8;
	[tilespmem:$0x1E400] =	vst v63  }
0x2d: {  	_ =	swait.ge [sflag:s19], $0x4000  }
0x2e: {  	[sflag:s19] =	ssyncset.done $0x0  }
0x2f: {  	s31 =	simm.s32 $0x1480;
	[sflag:s19] =	ssyncadd.s32 $0xFFFFC000  }
0x30: {  	[spmem:s3] =	stream.indirect.scatter.add.f32 [tilespmem:s17], [sflag:$0x3], $0x80, s31, s15, $0xb8;
	[tilespmem:$0x1E400] =	vst v63  }
0x31: {  	_ =	swait.ge [sflag:s13], $0x4000  }
0x32: {  	[sflag:s13] =	ssyncset.done $0x0  }
0x33: {  	s24 =	simm.s32 $0x180;
	s23 =	simm.s32 $0x400;
	[sflag:s13] =	ssyncadd.s32 $0xFFFFC000  }
.LBB2_3:
0x34: {  	[tilespmem:s17], [sflag:$0x2] =	stream.indirect.gather [hbm4b:s5+s15], $0x80, s24, s15, $0xb8;
	[tilespmem:$0x1E400] =	vst v63  }
0x35: {  	s24 =	smov.u32 s23  }
0x36: {  	p1 =	sne.s32 s23, $0x4800;
	s23 =	sadd.s32 $0x400, s23;
	_ =	swait.ge [sflag:s18], $0x4000  }
0x37: {  	s24 =	sshra.s32 s24, $0x2;
	[sflag:s18] =	ssyncset.done $0x0  }
0x38: {  	s25 =	sadd.s32 $0x1400, s24;
	[sflag:s18] =	ssyncadd.s32 $0xFFFFC000  }
0x39: {  	[spmem:s3] =	stream.indirect.scatter.add.f32 [tilespmem:s16], [sflag:$0x3], $0x80, s25, s15, $0xb8;
	[tilespmem:$0x1E400] =	vst v63  }
0x3a: {  	_ =	swait.ge [sflag:s13], $0x4000  }
0x3b: {  	[sflag:s13] =	ssyncset.done $0x0  }
0x3c: {  	s25 =	sadd.s32 $0x100, s24;
	[sflag:s13] =	ssyncadd.s32 $0xFFFFC000  }
0x3d: {  	[tilespmem:s16], [sflag:$0x1] =	stream.indirect.gather [hbm4b:s5+s15], $0x80, s25, s15, $0xb8;
	[tilespmem:$0x1E400] =	vst v63  }
0x3e: {  	_ =	swait.ge [sflag:s19], $0x4000  }
0x3f: {  	[sflag:s19] =	ssyncset.done $0x0  }
.Ltmp0:
0x40: {  	s25 =	sadd.s32 $0x1480, s24;
	[sflag:s19] =	ssyncadd.s32 $0xFFFFC000;
	(pc) =	sbr.rel @p1 .LBB2_3-.Ltmp0, $4  }
0x41: {  	[spmem:s3] =	stream.indirect.scatter.add.f32 [tilespmem:s17], [sflag:$0x3], $0x80, s25, s15, $0xb8;
	[tilespmem:$0x1E400] =	vst v63  }
0x42: {  	_ =	swait.ge [sflag:s13], $0x4000  }
0x43: {  	[sflag:s13] =	ssyncset.done $0x0  }
0x44: {  	s24 =	sadd.s32 $0x180, s24;
	[sflag:s13] =	ssyncadd.s32 $0xFFFFC000  }
0x45: {  	[tilespmem:s17], [sflag:$0x2] =	stream.indirect.gather [hbm4b:s5+s15], $0x80, s24, s15, $0xb8;
	[tilespmem:$0x1E400] =	vst v63  }
0x46: {  	_ =	swait.ge [sflag:s18], $0x4000  }
0x47: {  	[sflag:s18] =	ssyncset.done $0x0  }
0x48: {  	[sflag:s18] =	ssyncadd.s32 $0xFFFFC000  }
0x49: {  	[spmem:s3] =	stream.indirect.scatter.add.f32 [tilespmem:s16], [sflag:$0x3], $0x80, s20, s15, $0xb8;
	[tilespmem:$0x1E400] =	vst v63  }
0x4a: {  	_ =	swait.ge [sflag:s13], $0x4000  }
0x4b: {  	[sflag:s13] =	ssyncset.done $0x0  }
0x4c: {  	[sflag:s13] =	ssyncadd.s32 $0xFFFFC000  }
0x4d: {  	p1 =	slt.u32 @!p0 s22, $0x2;
	_ =	swait.ge [sflag:s19], $0x4000  }
0x4e: {  	p1 =	por p0, !p1;
	[sflag:s19] =	ssyncset.done $0x0  }
.Ltmp1:
0x4f: {  	[sflag:s19] =	ssyncadd.s32 $0xFFFFC000;
	(pc) =	sbr.rel @!p1 .LBB2_2-.Ltmp1, $4  }
0x50: {  	[spmem:s3] =	stream.indirect.scatter.add.f32 [tilespmem:s17], [sflag:$0x3], $0x80, s21, s15, $0xb8;
	[tilespmem:$0x1E400] =	vst v63  }
0x51: {  	_ =	swait.ge [sflag:s13], $0x4000  }
0x52: {  	[sflag:s13] =	ssyncset.done $0x0  }
0x53: {  	s22 =	sadd.s32 $0x1, s22;
	[sflag:s13] =	ssyncadd.s32 $0xFFFFC000  }
0x54: {  	s4 =	sadd.s32 $0x1, s4  }
0x55: {  	p1 =	sne.s32 s4, s11  }
.Ltmp2:
0x56: {  	[bflag:$0x0] =	sbarrier.arrive $0xFFFF;
	(pc) =	sbr.rel @p1 .LBB2_1-.Ltmp2, $4  }
0x57: {  	[hbm:s10], [sflag:s9] =	dma.local [spmem:s12], $0x2780  }
0x58: {  	_ =	swait.ge [sflag:s13], $0x2780  }
0x59: {  	[sflag:s13] =	ssyncset.done $0x0  }
0x5a: {  	[sflag:s13] =	ssyncadd.s32 $0xFFFFD880  }
0x5b: {  	_ =	sfence.sel $0x180000  }
0x5c: {  	[bflag:$0x0] =	sbarrier.arrive $0xFFFF  }
0x5d: {  	p0 =	sne.s32 s1, $0x0;
	_ =	strace $0x90000050  }
0x5e: {  	s0 =	sadd.s32 @!p0 $0x100000, s0;
	[bflag:$0x2] =	sbarrier.arrive $0xFFFF  }
0x5f: {  	[sflag:s0] =	ssyncadd.tile.s32 @!p0 $0x1;
	_ =	shalt  }
.Lfunc_end2:
_tile_overlayer_lowered:
.L_overlay_start_2:
0x60: {  	(tag) =	ssettag $0x2  }
0x61: {  	s0 =	rddreg [dreg:$0x0];
	s2 =	stileid.u32  }
0x62: {  	s1 =	rddreg [dreg:$0x1];
	p0 =	sne.s32 s2, $0x0  }
0x63: {  	s3 =	rddreg [dreg:$0x2];
	[bflag:$0x3] =	sbarrier.arrive $0xFFFF;
	s2 =	simm.s32 @!p0 $0x1C03  }
0x64: {  	[timem:s3], [sflag:s2] =	dma.local @!p0 [hbm:s0], s1  }
0x65: {  	s0 =	simm.s32 @!p0 $0x3  }
0x66: {  	_ =	swait.ge @!p0 [sflag:s0], s1  }
0x67: {  	s1 =	ssub.s32 @!p0 $0x0, s1;
	[sflag:s0] =	ssyncset.done @!p0 $0x0  }
0x68: {  	[sflag:s0] =	ssyncadd.s32 @!p0 s1  }
0x69: {  	[bflag:$0x3] =	sbarrier.arrive $0xFFFF  }
0x6a: {  	_ =	shalt  }

// kernel: gcn_sc_deg.4.cloned.1.call-start
scs
__scs_entry_jumppad:
0x0: {  	(pc) =	sbr.rel $0x88, $3  }
0x1: {  	(tag) =	ssettag $0x0;
	lr =	simm.s32 $0x1  }
0x2: {  	[smem:$0x3F9B] =	sst lr;
	_ =	strace $0xD0000000  }
0x3: {  	_ = 	snop  }
0x4: {  	_ = 	snop  }
0x5: {  	_ = 	snop  }
0x6: {  	_ = 	snop  }
0x7: {  	_ = 	snop  }
__scs_overlays_trampoline_lowered:
0x8: {  	[smem:$0x3FAA] =	sst s0  }
0x9: {  	[smem:$0x3FAB] =	sst s1  }
0xa: {  	[smem:$0x3FAC] =	sst s2  }
0xb: {  	[smem:$0x3FAD] =	sst s3  }
0xc: {  	[smem:$0x3FAE] =	sst s4  }
0xd: {  	[smem:$0x3FAF] =	sst s5  }
0xe: {  	[smem:$0x3FB0] =	sst s6  }
0xf: {  	[smem:$0x3FB1] =	sst s7  }
0x10: {  	[smem:$0x3FB2] =	sst s8  }
0x11: {  	[smem:$0x3FB3] =	sst s9;
	s0 =	simm.s32 @!p0 $0x0  }
0x12: {  	s1 =	sld [smem:$0x3F99];
	s0 =	simm.s32 @p0 $0x1  }
0x13: {  	[smem:$0x3FB4] =	sst s0;
	s0 =	simm.s32 @!p1 $0x0  }
0x14: {  	s2 =	sld [smem:$0x3F98];
	s0 =	simm.s32 @p1 $0x1  }
0x15: {  	[smem:$0x3FB5] =	sst s0;
	s0 =	simm.s32 @!p2 $0x0  }
0x16: {  	s3 =	sld [smem:$0x3FDB];
	s0 =	simm.s32 @p2 $0x1  }
0x17: {  	s4 =	simm.s32 $0x1BF5;
	[smem:$0x3FB7] =	sst s0  }
0x18: {  	s0 =	sld [smem:$0x3F9A];
	_ =	swait.ge [sflag:s4], $0x0  }
0x19: {  	s7 =	sld [smem:$0x3F9B]  }
0x1a: {  	s8 =	sadd.s32 $0xFFFFE003, lr  }
0x1b: {  	s9 =	sadd.s32 $0xFFFFFEF7, lr;
	s5 =	simm.s32 $0xFFFFFFFF;
	p2 =	slt.u32 s8, $0xFFFFF086  }
0x1c: {  	p1 =	slt.u32 s9, $0xF7A;
	s5 =	simm.s32 @!p2 $0x0  }
0x1d: {  	s5 =	simm.s32 @p1 $0x1;
	p0 =	seq.s32 s7, s2  }
0x1e: {  	s7 =	smul.u32 @!p0 $0xF7A, s2;
	p2 =	seq.s32 @!p0 s5, $0x0  }
0x1f: {  	s9 =	smul.u32 $0xF7A, s1;
	s8 =	simm.s32 @!p0 $0x1BF5;
	p2 =	por !p2, p0  }
0x20: {  	[sflag:s8] =	ssyncset.s32 @!p0 $0xFFFFF086;
	s6 =	sadd.s32 @!p0 s3, s7;
	s7 =	simm.s32 @!p0 $0x108  }
0x21: {  	s3 =	sadd.s32 s3, s9;
	s6 =	sadd.s32 @!p0 $0x88, s6;
	s7 =	simm.s32 @p2 $0x1082  }
0x22: {  	[simem:s7], [sflag:s8] =	dma.local @!p0 [hbm:s6], $0xF7A  }
0x23: {  	s9 =	sor.u32 $0xD0000000, s2;
	s6 =	simm.s32 $0x108;
	_ =	swait.ge @!p0 [sflag:s8], $0x0  }
0x24: {  	s3 =	sadd.s32 $0x88, s3;
	s6 =	simm.s32 @!p1 $0x1082;
	[sflag:s4] =	ssyncset.s32 $0xFFFFF086  }
0x25: {  	[simem:s6], [sflag:s4] =	dma.local [hbm:s3], $0xF7A  }
0x26: {  	[smem:$0x3F9B] =	sst s1;
	(tag) =	ssettag s2;
	_ =	strace s9  }
0x27: {  	s1 =	sld [smem:$0x3FAB]  }
0x28: {  	s2 =	sld [smem:$0x3FAC]  }
0x29: {  	s4 =	sld [smem:$0x3FAE]  }
0x2a: {  	p0 =	seq.s32 s5, $0x0;
	s5 =	sld [smem:$0x3FAF]  }
0x2b: {  	s6 =	sld [smem:$0x3FB0]  }
0x2c: {  	s7 =	sld [smem:$0x3FB1]  }
0x2d: {  	s3 =	simm.s32 $0x108;
	s8 =	sld [smem:$0x3FB2]  }
0x2e: {  	s3 =	simm.s32 @!p0 $0x1082;
	s9 =	sld [smem:$0x3FB3]  }
0x2f: {  	lr =	sadd.s32 s0, s3;
	s0 =	sld [smem:$0x3FAA]  }
0x30: {  	s3 =	sld [smem:$0x3FAD]  }
0x31: {  	[smem:$0x3FB6] =	sst s10  }
0x32: {  	s10 =	sld [smem:$0x3FB4];
	_ =	sdelay $0x3  }
0x33: {  	p0 =	seq.s32 s10, $0x1;
	s10 =	sld [smem:$0x3FB6];
	_ =	sdelay $0x3  }
0x34: {  	[smem:$0x3FB6] =	sst s10  }
0x35: {  	s10 =	sld [smem:$0x3FB5];
	_ =	sdelay $0x3  }
0x36: {  	p1 =	seq.s32 s10, $0x1;
	s10 =	sld [smem:$0x3FB6];
	_ =	sdelay $0x3  }
0x37: {  	[smem:$0x3FB6] =	sst s10  }
0x38: {  	s10 =	sld [smem:$0x3FB7]  }
0x39: {  	_ = 	snop;
	(pc) =	sbr.ind lr, $3  }
0x3a: {  	_ = 	snop  }
0x3b: {  	_ = 	snop  }
0x3c: {  	p2 =	seq.s32 s10, $0x1;
	s10 =	sld [smem:$0x3FB6]  }
0x3d: {  	_ =	shalt  }
0x3e: {  	_ =	shalt  }
0x3f: {  	_ =	shalt  }
0x40: {  	_ =	shalt  }
0x41: {  	_ =	shalt  }
0x42: {  	_ =	shalt  }
0x43: {  	_ =	shalt  }
0x44: {  	_ =	shalt  }
0x45: {  	_ =	shalt  }
0x46: {  	_ =	shalt  }
0x47: {  	_ =	shalt  }
0x48: {  	_ =	shalt  }
0x49: {  	_ =	shalt  }
0x4a: {  	_ =	shalt  }
0x4b: {  	_ =	shalt  }
0x4c: {  	_ =	shalt  }
0x4d: {  	_ =	shalt  }
0x4e: {  	_ =	shalt  }
0x4f: {  	_ =	shalt  }
0x50: {  	_ =	shalt  }
0x51: {  	_ =	shalt  }
0x52: {  	_ =	shalt  }
0x53: {  	_ =	shalt  }
0x54: {  	_ =	shalt  }
0x55: {  	_ =	shalt  }
0x56: {  	_ =	shalt  }
0x57: {  	_ =	shalt  }
0x58: {  	_ =	shalt  }
0x59: {  	_ =	shalt  }
0x5a: {  	_ =	shalt  }
0x5b: {  	_ =	shalt  }
0x5c: {  	_ =	shalt  }
0x5d: {  	_ =	shalt  }
0x5e: {  	_ =	shalt  }
0x5f: {  	_ =	shalt  }
0x60: {  	_ =	shalt  }
0x61: {  	_ =	shalt  }
0x62: {  	_ =	shalt  }
0x63: {  	_ =	shalt  }
0x64: {  	_ =	shalt  }
0x65: {  	_ =	shalt  }
0x66: {  	_ =	shalt  }
0x67: {  	_ =	shalt  }
0x68: {  	_ =	shalt  }
0x69: {  	_ =	shalt  }
0x6a: {  	_ =	shalt  }
0x6b: {  	_ =	shalt  }
0x6c: {  	_ =	shalt  }
0x6d: {  	_ =	shalt  }
0x6e: {  	_ =	shalt  }
0x6f: {  	_ =	shalt  }
0x70: {  	_ =	shalt  }
0x71: {  	_ =	shalt  }
0x72: {  	_ =	shalt  }
0x73: {  	_ =	shalt  }
0x74: {  	_ =	shalt  }
0x75: {  	_ =	shalt  }
0x76: {  	_ =	shalt  }
0x77: {  	_ =	shalt  }
0x78: {  	_ =	shalt  }
0x79: {  	_ =	shalt  }
0x7a: {  	_ =	shalt  }
0x7b: {  	_ =	shalt  }
0x7c: {  	_ =	shalt  }
0x7d: {  	_ =	shalt  }
0x7e: {  	_ =	shalt  }
0x7f: {  	_ =	shalt  }
0x80: {  	_ =	shalt  }
0x81: {  	_ =	shalt  }
0x82: {  	_ =	shalt  }
0x83: {  	_ =	shalt  }
0x84: {  	_ =	shalt  }
0x85: {  	_ =	shalt  }
0x86: {  	_ =	shalt  }
0x87: {  	_ =	shalt  }
.Lfunc_end0:
.L_simem_size_0:
called_computation_lowered:
.L_overlay_start_0:
0x88: {  	s2 =	sld [smem:$0x3FD9]  }
0x89: {  	s3 =	sld [smem:$0x3FFE];
	_ =	sdelay $0x1  }
0x8a: {  	s1 =	srdreg.scid  }
0x8b: {  	s0 =	sand.u32 $0x1, s1  }
0x8c: {  	s17 =	sshll.u32 s0, $0xA;
	s2 =	sadd.s32 s3, s2  }
0x8d: {  	s2 =	sadd.s32 s2, s17  }
0x8e: {  	[smem:$0x3FC2] =	sst s2  }
0x8f: {  	_ = 	snop  }
0x90: {  	s18 =	sld [smem:$0x3FD0];
	(tm) =	ssettm $0x1  }
0x91: {  	s19 =	sld [smem:$0x3FFB];
	_ =	sdelay $0x3  }
0x92: {  	_ =	strace s19  }
0x93: {  	s2 =	sld [smem:$0x3FFC];
	_ =	sdelay $0x3  }
0x94: {  	_ =	strace s2  }
0x95: {  	s2 =	sld [smem:$0x3FFD];
	_ =	sdelay $0x3  }
0x96: {  	_ =	strace s2  }
0x97: {  	_ =	strace $0x8FFFFFFF  }
0x98: {  	s20 =	sld [smem:$0x3FDB];
	_ =	sdelay $0x1  }
0x99: {  	s4 =	simm.s32 $_scs_section_size  }
0x9a: {  	s5 =	simm.s32 $_size__tile_overlayer_lowered;
	s6 =	simm.s32 $_tile_overlayer_lowered  }
0x9b: {  	s7 =	simm.s32 $0x1BFF;
	s21 =	sshll.u32 s6, $0x1;
	s4 =	sadd.s32 s4, s20  }
0x9c: {  	s22 =	simm.s32 $0x0;
	s5 =	sshll.u32 s5, $0x1;
	s6 =	sadd.s32 s21, s4  }
0x9d: {  	[timem:s22], [sflag:s7] =	dma.local [hbm:s6], s5  }
0x9e: {  	_ =	swait.ge [sflag:s7], s5  }
0x9f: {  	s5 =	ssub.s32 $0x0, s5;
	[sflag:s7] =	ssyncset.done $0x0  }
0xa0: {  	[sflag:s7] =	ssyncadd.s32 s5;
	_ =	sdelay $0x1  }
0xa1: {  	s23 =	simm.s32 $0x1B8B  }
0xa2: {  	_ =	swait.ge [sflag:s23], $0x1  }
0xa3: {  	[sflag:s23] =	ssyncset.done $0x0  }
0xa4: {  	[sflag:s23] =	ssyncadd.s32 $0xFFFFFFFF  }
0xa5: {  	s5 =	sld [smem:$0x0]  }
0xa6: {  	s6 =	sand.u32 $0xFFFFFFFE, s1  }
0xa7: {  	p0 =	sne.s32 s1, s6  }
0xa8: {  	s6 =	sshll.u32 @p0 s6, $0xE  }
0xa9: {  	s6 =	sadd.s32 @p0 $0x11B8D, s6;
	s7 =	sshll.u32 @p0 s5, $0x11  }
0xaa: {  	s6 =	sor.u32 @p0 s7, s6  }
0xab: {  	[sflag:s6] =	ssyncadd.remote.s32 @p0 $0x1;
	_ =	sdelay $0x1  }
0xac: {  	s6 =	simm.s32 @p0 $0x1B8D  }
0xad: {  	_ =	swait.eq @p0 [sflag:s6], $0x1  }
0xae: {  	[sflag:s6] =	ssyncadd.s32 @p0 $0xFFFFFFFF  }
0xaf: {  	s7 =	sshll.u32 @!p0 s1, $0xE  }
0xb0: {  	s7 =	sor.u32 @!p0 $0x4000, s7;
	s6 =	simm.s32 @!p0 $0x1B8D  }
0xb1: {  	s5 =	sshll.u32 @!p0 s5, $0x11;
	s7 =	sadd.s32 @!p0 $0x11B8D, s7;
	_ =	swait.eq @!p0 [sflag:s6], $0x1  }
0xb2: {  	s5 =	sor.u32 @!p0 s5, s7;
	[sflag:s6] =	ssyncadd.s32 @!p0 $0xFFFFFFFF  }
0xb3: {  	s25 =	simm.s32 $0x1B8E;
	s24 =	sld [smem:$0x3FFE];
	[sflag:s5] =	ssyncadd.remote.s32 @!p0 $0x1  }
0xb4: {  	s26 =	simm.s32 $execute0_lowered;
	[smem:$0x3FD2] =	sst s25  }
0xb5: {  	s6 =	sshll.u32 s26, $0x1;
	_ =	strace $0x80000049;
	[dreg:$0x1] =	wrdreg $0xFFFFFFFF  }
0xb6: {  	s28 =	simm.s32 $_size_execute0_lowered;
	s4 =	sadd.s32 s4, s6;
	[dreg:$0x0] =	wrdreg $0x0  }
0xb7: {  	s6 =	sshll.u32 s28, $0x1;
	[dreg:$0x2] =	wrdreg s4  }
0xb8: {  	[dreg:$0x3] =	wrdreg s6  }
0xb9: {  	[dreg:$0x4] =	wrdreg $0xC0  }
0xba: {  	_ =	task [dreg:s22], $0x5FFFF  }
0xbb: {  	[dreg:$0x1] =	wrdreg $0xFFFFFFFF  }
0xbc: {  	[dreg:$0x0] =	wrdreg $0x60  }
0xbd: {  	[dreg:$0x2] =	wrdreg s18  }
0xbe: {  	[dreg:$0x3] =	wrdreg s24  }
0xbf: {  	[dreg:$0x4] =	wrdreg $0x68000  }
0xc0: {  	[dreg:$0x5] =	wrdreg $0xA  }
0xc1: {  	_ =	task.clear_ibuf [dreg:s22], $0x6FFFF;
	_ =	strace $0x90000049  }
0xc2: {  	s29 =	simm.s32 $0xA;
	_ =	strace $0x8000004B  }
0xc3: {  	_ =	swait.ge [sflag:s29], $0x1  }
0xc4: {  	[sflag:s29] =	ssyncadd.s32 $0xFFFFFFFF  }
0xc5: {  	_ =	strace $0x9000004B  }
0xc6: {  	_ =	sfence  }
0xc7: {  	s30 =	sld [smem:$0x0];
	_ =	sdelay $0x2  }
0xc8: {  	s31 =	sshll.u32 s1, $0xD;
	s1 =	sshrl.u32 s1, $0x2  }
0xc9: {  	s4 =	sand.u32 $0x4000, s31;
	s1 =	sadd.s32 s1, s30  }
0xca: {  	s0 =	sor.u32 s4, s0;
	s1 =	sshll.u32 s1, $0x11  }
0xcb: {  	s0 =	sor.u32 s1, s0  }
0xcc: {  	s0 =	sadd.s32 $0x8F2B, s0  }
0xcd: {  	[sflag:s0] =	ssyncadd.remote.s32 $0x1  }
0xce: {  	_ =	sfence.sel $0xFFFF  }
0xcf: {  	[dreg:$0x0] =	wrdreg $0xFFFFFFFF;
	(pc) =	sbr.abs _section_cstart, $3  }
0xd0: {  	[dreg:$0x1] =	wrdreg $0xFFFFFFFF  }
0xd1: {  	_ =	task.clear_ibuf [dreg:s22], $0x2FFFF;
	_ =	strace $0x9FFFFFFF  }
0xd2: {  	(tm) =	ssettm $0x7FFFFFFF  }
0xd3: {  	_ =	shalt  }
tec
execute0_lowered:
.L_overlay_start_1:
0x0: {  	(tag) =	ssettag $0x1  }
0x1: {  	s7 =	rddreg [dreg:$0x0]  }
0x2: {  	s6 =	rddreg [dreg:$0x1]  }
0x3: {  	s1 =	rddreg [dreg:$0x2]  }
0x4: {  	s2 =	srdreg.scid;
	s0 =	rddreg [dreg:$0x3];
	s3 =	simm.s32 $0x0  }
0x5: {  	s12 =	simm.s32 $0x2800;
	s13 =	simm.s32 $0x80;
	s8 =	sand.u32 $0x1, s2  }
0x6: {  	s14 =	simm.s32 $0x0;
	s2 =	stileid.u32;
	s9 =	smul.u32 $0x13C000, s8  }
0x7: {  	[smem:$0x7FF] =	sst s3;
	s4 =	sadd.s32 $0x33E00, s6;
	s10 =	smul.u32 $0x13C00, s2  }
0x8: {  	s5 =	sadd.s32 $0x85600, s6;
	_ =	strace $0x8000004A;
	s28 =	smul.u32 $0x4F000, s2  }
0x9: {  	s11 =	sshll.u32 s2, $0x1;
	s29 =	ssub.s32 $0x2, s8;
	s31 =	sshll.u32 s2, $0x6  }
0xa: {  	s8 =	sor.u32 s8, s11;
	s30 =	sshrl.u32 s29, $0x1;
	s9 =	sadd.s32 s10, s9  }
0xb: {  	s10 =	sshrl.u32 s28, $0x2;
	s8 =	smul.u32 $0x500, s8;
	s9 =	sshrl.u32 s9, $0x3  }
0xc: {  	s11 =	ssub.s32 s29, s30;
	s10 =	sadd.s32 s10, s1;
	s9 =	sadd.s32 s9, s6  }
0xd: {  	s6 =	sor.u32 $0x1C01, s31;
	s7 =	sadd.s32 s7, s8;
	s10 =	sshrl.u32 s10, $0x3  }
0xe: {  	s8 =	sadd.s32 $0x85E00, s9;
	s9 =	smax.u32 s11, $0x1;
	s11 =	simm.s32 $0x1  }
.LBB2_1:
0xf: {  	[spmem:s10], [sflag:s6] =	dma.local [hbm:s4], $0x2780  }
0x10: {  	_ =	swait.ge [sflag:s11], $0x2780  }
0x11: {  	[sflag:s11] =	ssyncset.done $0x0  }
0x12: {  	[sflag:s11] =	ssyncadd.s32 $0xFFFFD880  }
0x13: {  	[tilespmem:s12], [sflag:$0x1] =	stream.linear.gather [hbm4b:s5+s3], $0x4000, $0x38;
	[tilespmem:$0x1A400] =	vst v63  }
0x14: {  	_ =	swait.ge [sflag:s11], $0x4000  }
0x15: {  	[sflag:s11] =	ssyncset.done $0x0  }
0x16: {  	[sflag:s11] =	ssyncadd.s32 $0xFFFFC000  }
0x17: {  	[tilespmem:s3], [sflag:$0x1] =	stream.linear.gather [hbm4b:s7+s3], $0x2800, $0x38;
	[tilespmem:$0x1A400] =	vst v63  }
0x18: {  	_ =	swait.ge [sflag:s11], $0x2800  }
0x19: {  	[sflag:s11] =	ssyncset.done $0x0  }
0x1a: {  	[sflag:s11] =	ssyncadd.s32 $0xFFFFD800  }
0x1b: {  	s15 =	simm.s32 $0x0;
	[bflag:$0x0] =	sbarrier.arrive $0xFFFF  }
0x1c: {  	[spmem:s1] =	stream.indirect.scatter.add.f32 [tilespmem:s12], [sflag:$0x1], $0x80, s15, s13, $0xb8;
	[tilespmem:$0x1A400] =	vst v63  }
0x1d: {  	_ =	swait.ge [sflag:s11], $0x4000  }
0x1e: {  	s15 =	simm.s32 $0x200;
	[sflag:s11] =	ssyncset.done $0x0  }
.LBB2_2:
0x1f: {  	s16 =	sshra.s32 s15, $0x2;
	[sflag:s11] =	ssyncadd.s32 $0xFFFFC000;
	p0 =	sne.s32 s15, $0x9E00  }
0x20: {  	[spmem:s1] =	stream.indirect.scatter.add.f32 [tilespmem:s12], [sflag:$0x1], $0x80, s16, s13, $0xb8;
	[tilespmem:$0x1A400] =	vst v63  }
.Ltmp0:
0x21: {  	_ = 	snop;
	(pc) =	sbr.rel @p0 .LBB2_2-.Ltmp0, $4  }
0x22: {  	_ = 	snop  }
0x23: {  	s15 =	sadd.s32 $0x200, s15  }
0x24: {  	_ =	swait.ge [sflag:s11], $0x4000  }
0x25: {  	[sflag:s11] =	ssyncset.done $0x0  }
0x26: {  	s14 =	sadd.s32 $0x1, s14  }
0x27: {  	[sflag:s11] =	ssyncadd.s32 $0xFFFFC000;
	p0 =	sne.s32 s14, s9  }
.Ltmp1:
0x28: {  	[bflag:$0x0] =	sbarrier.arrive $0xFFFF;
	(pc) =	sbr.rel @p0 .LBB2_1-.Ltmp1, $4  }
0x29: {  	[hbm:s8], [sflag:s6] =	dma.local [spmem:s10], $0x2780  }
0x2a: {  	_ =	swait.ge [sflag:s11], $0x2780  }
0x2b: {  	[sflag:s11] =	ssyncset.done $0x0  }
0x2c: {  	[sflag:s11] =	ssyncadd.s32 $0xFFFFD880  }
0x2d: {  	_ =	sfence.sel $0x180000  }
0x2e: {  	[bflag:$0x0] =	sbarrier.arrive $0xFFFF  }
0x2f: {  	p0 =	sne.s32 s2, $0x0;
	_ =	strace $0x9000004A  }
0x30: {  	s0 =	sadd.s32 @!p0 $0x100000, s0;
	[bflag:$0x2] =	sbarrier.arrive $0xFFFF  }
0x31: {  	[sflag:s0] =	ssyncadd.tile.s32 @!p0 $0x1;
	_ =	shalt  }
.Lfunc_end2:
_tile_overlayer_lowered:
.L_overlay_start_2:
0x32: {  	(tag) =	ssettag $0x2  }
0x33: {  	s0 =	rddreg [dreg:$0x0];
	s2 =	stileid.u32  }
0x34: {  	s1 =	rddreg [dreg:$0x1];
	p0 =	sne.s32 s2, $0x0  }
0x35: {  	s3 =	rddreg [dreg:$0x2];
	[bflag:$0x3] =	sbarrier.arrive $0xFFFF;
	s2 =	simm.s32 @!p0 $0x1C01  }
0x36: {  	[timem:s3], [sflag:s2] =	dma.local @!p0 [hbm:s0], s1  }
0x37: {  	s0 =	simm.s32 @!p0 $0x1  }
0x38: {  	_ =	swait.ge @!p0 [sflag:s0], s1  }
0x39: {  	s1 =	ssub.s32 @!p0 $0x0, s1;
	[sflag:s0] =	ssyncset.done @!p0 $0x0  }
0x3a: {  	[sflag:s0] =	ssyncadd.s32 @!p0 s1  }
0x3b: {  	[bflag:$0x3] =	sbarrier.arrive $0xFFFF  }
0x3c: {  	_ =	shalt  }

// kernel: gcn_sc_deg.7.cloned.1.call-start
scs
__scs_entry_jumppad:
0x0: {  	(pc) =	sbr.rel $0x88, $3  }
0x1: {  	(tag) =	ssettag $0x0;
	lr =	simm.s32 $0x1  }
0x2: {  	[smem:$0x3F9B] =	sst lr;
	_ =	strace $0xD0000000  }
0x3: {  	_ = 	snop  }
0x4: {  	_ = 	snop  }
0x5: {  	_ = 	snop  }
0x6: {  	_ = 	snop  }
0x7: {  	_ = 	snop  }
__scs_overlays_trampoline_lowered:
0x8: {  	[smem:$0x3FAA] =	sst s0  }
0x9: {  	[smem:$0x3FAB] =	sst s1  }
0xa: {  	[smem:$0x3FAC] =	sst s2  }
0xb: {  	[smem:$0x3FAD] =	sst s3  }
0xc: {  	[smem:$0x3FAE] =	sst s4  }
0xd: {  	[smem:$0x3FAF] =	sst s5  }
0xe: {  	[smem:$0x3FB0] =	sst s6  }
0xf: {  	[smem:$0x3FB1] =	sst s7  }
0x10: {  	[smem:$0x3FB2] =	sst s8  }
0x11: {  	[smem:$0x3FB3] =	sst s9;
	s0 =	simm.s32 @!p0 $0x0  }
0x12: {  	s1 =	sld [smem:$0x3F99];
	s0 =	simm.s32 @p0 $0x1  }
0x13: {  	[smem:$0x3FB4] =	sst s0;
	s0 =	simm.s32 @!p1 $0x0  }
0x14: {  	s2 =	sld [smem:$0x3F98];
	s0 =	simm.s32 @p1 $0x1  }
0x15: {  	[smem:$0x3FB5] =	sst s0;
	s0 =	simm.s32 @!p2 $0x0  }
0x16: {  	s3 =	sld [smem:$0x3FDB];
	s0 =	simm.s32 @p2 $0x1  }
0x17: {  	s4 =	simm.s32 $0x1BF5;
	[smem:$0x3FB7] =	sst s0  }
0x18: {  	s0 =	sld [smem:$0x3F9A];
	_ =	swait.ge [sflag:s4], $0x0  }
0x19: {  	s7 =	sld [smem:$0x3F9B]  }
0x1a: {  	s8 =	sadd.s32 $0xFFFFE003, lr  }
0x1b: {  	s9 =	sadd.s32 $0xFFFFFEF7, lr;
	s5 =	simm.s32 $0xFFFFFFFF;
	p2 =	slt.u32 s8, $0xFFFFF086  }
0x1c: {  	p1 =	slt.u32 s9, $0xF7A;
	s5 =	simm.s32 @!p2 $0x0  }
0x1d: {  	s5 =	simm.s32 @p1 $0x1;
	p0 =	seq.s32 s7, s2  }
0x1e: {  	s7 =	smul.u32 @!p0 $0xF7A, s2;
	p2 =	seq.s32 @!p0 s5, $0x0  }
0x1f: {  	s9 =	smul.u32 $0xF7A, s1;
	s8 =	simm.s32 @!p0 $0x1BF5;
	p2 =	por !p2, p0  }
0x20: {  	[sflag:s8] =	ssyncset.s32 @!p0 $0xFFFFF086;
	s6 =	sadd.s32 @!p0 s3, s7;
	s7 =	simm.s32 @!p0 $0x108  }
0x21: {  	s3 =	sadd.s32 s3, s9;
	s6 =	sadd.s32 @!p0 $0x88, s6;
	s7 =	simm.s32 @p2 $0x1082  }
0x22: {  	[simem:s7], [sflag:s8] =	dma.local @!p0 [hbm:s6], $0xF7A  }
0x23: {  	s9 =	sor.u32 $0xD0000000, s2;
	s6 =	simm.s32 $0x108;
	_ =	swait.ge @!p0 [sflag:s8], $0x0  }
0x24: {  	s3 =	sadd.s32 $0x88, s3;
	s6 =	simm.s32 @!p1 $0x1082;
	[sflag:s4] =	ssyncset.s32 $0xFFFFF086  }
0x25: {  	[simem:s6], [sflag:s4] =	dma.local [hbm:s3], $0xF7A  }
0x26: {  	[smem:$0x3F9B] =	sst s1;
	(tag) =	ssettag s2;
	_ =	strace s9  }
0x27: {  	s1 =	sld [smem:$0x3FAB]  }
0x28: {  	s2 =	sld [smem:$0x3FAC]  }
0x29: {  	s4 =	sld [smem:$0x3FAE]  }
0x2a: {  	p0 =	seq.s32 s5, $0x0;
	s5 =	sld [smem:$0x3FAF]  }
0x2b: {  	s6 =	sld [smem:$0x3FB0]  }
0x2c: {  	s7 =	sld [smem:$0x3FB1]  }
0x2d: {  	s3 =	simm.s32 $0x108;
	s8 =	sld [smem:$0x3FB2]  }
0x2e: {  	s3 =	simm.s32 @!p0 $0x1082;
	s9 =	sld [smem:$0x3FB3]  }
0x2f: {  	lr =	sadd.s32 s0, s3;
	s0 =	sld [smem:$0x3FAA]  }
0x30: {  	s3 =	sld [smem:$0x3FAD]  }
0x31: {  	[smem:$0x3FB6] =	sst s10  }
0x32: {  	s10 =	sld [smem:$0x3FB4];
	_ =	sdelay $0x3  }
0x33: {  	p0 =	seq.s32 s10, $0x1;
	s10 =	sld [smem:$0x3FB6];
	_ =	sdelay $0x3  }
0x34: {  	[smem:$0x3FB6] =	sst s10  }
0x35: {  	s10 =	sld [smem:$0x3FB5];
	_ =	sdelay $0x3  }
0x36: {  	p1 =	seq.s32 s10, $0x1;
	s10 =	sld [smem:$0x3FB6];
	_ =	sdelay $0x3  }
0x37: {  	[smem:$0x3FB6] =	sst s10  }
0x38: {  	s10 =	sld [smem:$0x3FB7]  }
0x39: {  	_ = 	snop;
	(pc) =	sbr.ind lr, $3  }
0x3a: {  	_ = 	snop  }
0x3b: {  	_ = 	snop  }
0x3c: {  	p2 =	seq.s32 s10, $0x1;
	s10 =	sld [smem:$0x3FB6]  }
0x3d: {  	_ =	shalt  }
0x3e: {  	_ =	shalt  }
0x3f: {  	_ =	shalt  }
0x40: {  	_ =	shalt  }
0x41: {  	_ =	shalt  }
0x42: {  	_ =	shalt  }
0x43: {  	_ =	shalt  }
0x44: {  	_ =	shalt  }
0x45: {  	_ =	shalt  }
0x46: {  	_ =	shalt  }
0x47: {  	_ =	shalt  }
0x48: {  	_ =	shalt  }
0x49: {  	_ =	shalt  }
0x4a: {  	_ =	shalt  }
0x4b: {  	_ =	shalt  }
0x4c: {  	_ =	shalt  }
0x4d: {  	_ =	shalt  }
0x4e: {  	_ =	shalt  }
0x4f: {  	_ =	shalt  }
0x50: {  	_ =	shalt  }
0x51: {  	_ =	shalt  }
0x52: {  	_ =	shalt  }
0x53: {  	_ =	shalt  }
0x54: {  	_ =	shalt  }
0x55: {  	_ =	shalt  }
0x56: {  	_ =	shalt  }
0x57: {  	_ =	shalt  }
0x58: {  	_ =	shalt  }
0x59: {  	_ =	shalt  }
0x5a: {  	_ =	shalt  }
0x5b: {  	_ =	shalt  }
0x5c: {  	_ =	shalt  }
0x5d: {  	_ =	shalt  }
0x5e: {  	_ =	shalt  }
0x5f: {  	_ =	shalt  }
0x60: {  	_ =	shalt  }
0x61: {  	_ =	shalt  }
0x62: {  	_ =	shalt  }
0x63: {  	_ =	shalt  }
0x64: {  	_ =	shalt  }
0x65: {  	_ =	shalt  }
0x66: {  	_ =	shalt  }
0x67: {  	_ =	shalt  }
0x68: {  	_ =	shalt  }
0x69: {  	_ =	shalt  }
0x6a: {  	_ =	shalt  }
0x6b: {  	_ =	shalt  }
0x6c: {  	_ =	shalt  }
0x6d: {  	_ =	shalt  }
0x6e: {  	_ =	shalt  }
0x6f: {  	_ =	shalt  }
0x70: {  	_ =	shalt  }
0x71: {  	_ =	shalt  }
0x72: {  	_ =	shalt  }
0x73: {  	_ =	shalt  }
0x74: {  	_ =	shalt  }
0x75: {  	_ =	shalt  }
0x76: {  	_ =	shalt  }
0x77: {  	_ =	shalt  }
0x78: {  	_ =	shalt  }
0x79: {  	_ =	shalt  }
0x7a: {  	_ =	shalt  }
0x7b: {  	_ =	shalt  }
0x7c: {  	_ =	shalt  }
0x7d: {  	_ =	shalt  }
0x7e: {  	_ =	shalt  }
0x7f: {  	_ =	shalt  }
0x80: {  	_ =	shalt  }
0x81: {  	_ =	shalt  }
0x82: {  	_ =	shalt  }
0x83: {  	_ =	shalt  }
0x84: {  	_ =	shalt  }
0x85: {  	_ =	shalt  }
0x86: {  	_ =	shalt  }
0x87: {  	_ =	shalt  }
.Lfunc_end0:
.L_simem_size_0:
called_computation.1_lowered:
.L_overlay_start_0:
0x88: {  	s2 =	sld [smem:$0x3FD9]  }
0x89: {  	s3 =	sld [smem:$0x3FFE];
	_ =	sdelay $0x1  }
0x8a: {  	s1 =	srdreg.scid  }
0x8b: {  	s0 =	sand.u32 $0x1, s1  }
0x8c: {  	s17 =	sshll.u32 s0, $0xA;
	s2 =	sadd.s32 s3, s2  }
0x8d: {  	s2 =	sadd.s32 s2, s17  }
0x8e: {  	[smem:$0x3FC2] =	sst s2  }
0x8f: {  	_ = 	snop  }
0x90: {  	(tm) =	ssettm $0x1  }
0x91: {  	s18 =	sld [smem:$0x3FFB];
	_ =	sdelay $0x3  }
0x92: {  	_ =	strace s18  }
0x93: {  	s2 =	sld [smem:$0x3FFC];
	_ =	sdelay $0x3  }
0x94: {  	_ =	strace s2  }
0x95: {  	s2 =	sld [smem:$0x3FFD];
	_ =	sdelay $0x3  }
0x96: {  	_ =	strace s2  }
0x97: {  	_ =	strace $0x8FFFFFFF  }
0x98: {  	s19 =	sld [smem:$0x3FDB];
	_ =	sdelay $0x1  }
0x99: {  	s20 =	simm.s32 $_scs_section_size  }
0x9a: {  	s4 =	simm.s32 $_size__tile_overlayer_lowered;
	s5 =	simm.s32 $_tile_overlayer_lowered  }
0x9b: {  	s6 =	simm.s32 $0x1BFF;
	s21 =	sshll.u32 s5, $0x1;
	s3 =	sadd.s32 s20, s19  }
0x9c: {  	s22 =	simm.s32 $0x0;
	s4 =	sshll.u32 s4, $0x1;
	s5 =	sadd.s32 s21, s3  }
0x9d: {  	[timem:s22], [sflag:s6] =	dma.local [hbm:s5], s4  }
0x9e: {  	_ =	swait.ge [sflag:s6], s4  }
0x9f: {  	s4 =	ssub.s32 $0x0, s4;
	[sflag:s6] =	ssyncset.done $0x0  }
0xa0: {  	[sflag:s6] =	ssyncadd.s32 s4;
	_ =	sdelay $0x1  }
0xa1: {  	s23 =	simm.s32 $0x1B8B  }
0xa2: {  	_ =	swait.ge [sflag:s23], $0x1  }
0xa3: {  	[sflag:s23] =	ssyncset.done $0x0  }
0xa4: {  	[sflag:s23] =	ssyncadd.s32 $0xFFFFFFFF  }
0xa5: {  	s4 =	sld [smem:$0x0]  }
0xa6: {  	s5 =	sand.u32 $0xFFFFFFFE, s1  }
0xa7: {  	p0 =	sne.s32 s1, s5  }
0xa8: {  	s5 =	sshll.u32 @p0 s5, $0xE  }
0xa9: {  	s5 =	sadd.s32 @p0 $0x11B8D, s5;
	s6 =	sshll.u32 @p0 s4, $0x11  }
0xaa: {  	s5 =	sor.u32 @p0 s6, s5  }
0xab: {  	[sflag:s5] =	ssyncadd.remote.s32 @p0 $0x1;
	_ =	sdelay $0x1  }
0xac: {  	s5 =	simm.s32 @p0 $0x1B8D  }
0xad: {  	_ =	swait.eq @p0 [sflag:s5], $0x1  }
0xae: {  	[sflag:s5] =	ssyncadd.s32 @p0 $0xFFFFFFFF  }
0xaf: {  	s6 =	sshll.u32 @!p0 s1, $0xE  }
0xb0: {  	s6 =	sor.u32 @!p0 $0x4000, s6;
	s5 =	simm.s32 @!p0 $0x1B8D  }
0xb1: {  	s4 =	sshll.u32 @!p0 s4, $0x11;
	s6 =	sadd.s32 @!p0 $0x11B8D, s6;
	_ =	swait.eq @!p0 [sflag:s5], $0x1  }
0xb2: {  	s4 =	sor.u32 @!p0 s4, s6;
	[sflag:s5] =	ssyncadd.s32 @!p0 $0xFFFFFFFF  }
0xb3: {  	s25 =	simm.s32 $0x1B8E;
	s24 =	sld [smem:$0x3FFE];
	[sflag:s4] =	ssyncadd.remote.s32 @!p0 $0x1  }
0xb4: {  	s26 =	simm.s32 $execute0_lowered;
	[smem:$0x3FD2] =	sst s25  }
0xb5: {  	s5 =	sshll.u32 s26, $0x1;
	_ =	strace $0x8000004C;
	[dreg:$0x1] =	wrdreg $0xFFFFFFFF  }
0xb6: {  	s28 =	simm.s32 $_size_execute0_lowered;
	s3 =	sadd.s32 s3, s5;
	[dreg:$0x0] =	wrdreg $0x0  }
0xb7: {  	s5 =	sshll.u32 s28, $0x1;
	[dreg:$0x2] =	wrdreg s3  }
0xb8: {  	[dreg:$0x3] =	wrdreg s5  }
0xb9: {  	[dreg:$0x4] =	wrdreg $0xC0  }
0xba: {  	_ =	task [dreg:s22], $0x5FFFF  }
0xbb: {  	[dreg:$0x1] =	wrdreg $0xFFFFFFFF  }
0xbc: {  	[dreg:$0x0] =	wrdreg $0x60  }
0xbd: {  	[dreg:$0x2] =	wrdreg s24  }
0xbe: {  	[dreg:$0x3] =	wrdreg $0x68000  }
0xbf: {  	[dreg:$0x4] =	wrdreg $0x9  }
0xc0: {  	_ =	task.clear_ibuf [dreg:s22], $0x5FFFF;
	_ =	strace $0x9000004C  }
0xc1: {  	s29 =	simm.s32 $0x9;
	_ =	strace $0x8000004E  }
0xc2: {  	_ =	swait.ge [sflag:s29], $0x1  }
0xc3: {  	[sflag:s29] =	ssyncadd.s32 $0xFFFFFFFF  }
0xc4: {  	_ =	strace $0x9000004E  }
0xc5: {  	_ =	sfence  }
0xc6: {  	s30 =	sld [smem:$0x0];
	_ =	sdelay $0x2  }
0xc7: {  	s31 =	sshll.u32 s1, $0xD;
	s1 =	sshrl.u32 s1, $0x2  }
0xc8: {  	s4 =	sand.u32 $0x4000, s31;
	s1 =	sadd.s32 s1, s30  }
0xc9: {  	s0 =	sor.u32 s4, s0;
	s1 =	sshll.u32 s1, $0x11  }
0xca: {  	s0 =	sor.u32 s1, s0  }
0xcb: {  	s0 =	sadd.s32 $0x8F2B, s0  }
0xcc: {  	[sflag:s0] =	ssyncadd.remote.s32 $0x1  }
0xcd: {  	_ =	sfence.sel $0xFFFF  }
0xce: {  	[dreg:$0x0] =	wrdreg $0xFFFFFFFF;
	(pc) =	sbr.abs _section_cstart, $3  }
0xcf: {  	[dreg:$0x1] =	wrdreg $0xFFFFFFFF  }
0xd0: {  	_ =	task.clear_ibuf [dreg:s22], $0x2FFFF;
	_ =	strace $0x9FFFFFFF  }
0xd1: {  	(tm) =	ssettm $0x7FFFFFFF  }
tec
execute0_lowered:
.L_overlay_start_1:
0x0: {  	(tag) =	ssettag $0x1  }
0x1: {  	s1 =	srdreg.scid  }
0x2: {  	s0 =	stileid.u32;
	s7 =	rddreg [dreg:$0x0]  }
0x3: {  	s2 =	rddreg [dreg:$0x1];
	s3 =	simm.s32 $0x0;
	s12 =	simm.s32 $0x2800  }
0x4: {  	s13 =	simm.s32 $0x80;
	s14 =	simm.s32 $0x0;
	s8 =	smul.u32 $0x13C00, s0  }
0x5: {  	s6 =	sand.u32 $0x1, s1;
	s29 =	sshll.u32 s0, $0x1;
	s10 =	smul.u32 $0x4F000, s0  }
0x6: {  	[smem:$0x7FF] =	sst s3;
	s1 =	sor.u32 s6, s29;
	s5 =	smul.u32 $0x13C000, s6  }
0x7: {  	s31 =	sshll.u32 s0, $0x6;
	s6 =	ssub.s32 $0x2, s6;
	s4 =	smul.u32 $0x500, s1  }
0x8: {  	s1 =	rddreg [dreg:$0x2];
	_ =	strace $0x8000004D;
	s30 =	sshrl.u32 s6, $0x1  }
0x9: {  	s10 =	sshrl.u32 s10, $0x2;
	s8 =	sadd.s32 s8, s5;
	s5 =	sadd.s32 $0x85600, s7  }
0xa: {  	s11 =	ssub.s32 s6, s30;
	s10 =	sadd.s32 s10, s2;
	s6 =	sor.u32 $0x1C01, s31  }
0xb: {  	s9 =	sadd.s32 s4, s7;
	s4 =	sadd.s32 $0x33E00, s7;
	s8 =	sshrl.u32 s8, $0x3  }
0xc: {  	s10 =	sshrl.u32 s10, $0x3;
	s8 =	sadd.s32 s8, s7;
	s7 =	sadd.s32 $0x2600, s9  }
0xd: {  	s9 =	smax.u32 s11, $0x1;
	s11 =	simm.s32 $0x1;
	s8 =	sadd.s32 $0xD4E00, s8  }
.LBB2_1:
0xe: {  	[spmem:s10], [sflag:s6] =	dma.local [hbm:s4], $0x2780  }
0xf: {  	_ =	swait.ge [sflag:s11], $0x2780  }
0x10: {  	[sflag:s11] =	ssyncset.done $0x0  }
0x11: {  	[sflag:s11] =	ssyncadd.s32 $0xFFFFD880  }
0x12: {  	[tilespmem:s12], [sflag:$0x1] =	stream.linear.gather [hbm4b:s5+s3], $0x4000, $0x38;
	[tilespmem:$0x1A400] =	vst v63  }
0x13: {  	_ =	swait.ge [sflag:s11], $0x4000  }
0x14: {  	[sflag:s11] =	ssyncset.done $0x0  }
0x15: {  	[sflag:s11] =	ssyncadd.s32 $0xFFFFC000  }
0x16: {  	[tilespmem:s3], [sflag:$0x1] =	stream.linear.gather [hbm4b:s7+s3], $0x2800, $0x38;
	[tilespmem:$0x1A400] =	vst v63  }
0x17: {  	_ =	swait.ge [sflag:s11], $0x2800  }
0x18: {  	[sflag:s11] =	ssyncset.done $0x0  }
0x19: {  	[sflag:s11] =	ssyncadd.s32 $0xFFFFD800  }
0x1a: {  	s15 =	simm.s32 $0x0;
	[bflag:$0x0] =	sbarrier.arrive $0xFFFF  }
0x1b: {  	[spmem:s2] =	stream.indirect.scatter.add.f32 [tilespmem:s12], [sflag:$0x1], $0x80, s15, s13, $0xb8;
	[tilespmem:$0x1A400] =	vst v63  }
0x1c: {  	_ =	swait.ge [sflag:s11], $0x4000  }
0x1d: {  	s15 =	simm.s32 $0x200;
	[sflag:s11] =	ssyncset.done $0x0  }
.LBB2_2:
0x1e: {  	s16 =	sshra.s32 s15, $0x2;
	[sflag:s11] =	ssyncadd.s32 $0xFFFFC000;
	p0 =	sne.s32 s15, $0x9E00  }
0x1f: {  	[spmem:s2] =	stream.indirect.scatter.add.f32 [tilespmem:s12], [sflag:$0x1], $0x80, s16, s13, $0xb8;
	[tilespmem:$0x1A400] =	vst v63  }
.Ltmp0:
0x20: {  	_ = 	snop;
	(pc) =	sbr.rel @p0 .LBB2_2-.Ltmp0, $4  }
0x21: {  	_ = 	snop  }
0x22: {  	s15 =	sadd.s32 $0x200, s15  }
0x23: {  	_ =	swait.ge [sflag:s11], $0x4000  }
0x24: {  	[sflag:s11] =	ssyncset.done $0x0  }
0x25: {  	s14 =	sadd.s32 $0x1, s14  }
0x26: {  	[sflag:s11] =	ssyncadd.s32 $0xFFFFC000;
	p0 =	sne.s32 s14, s9  }
.Ltmp1:
0x27: {  	[bflag:$0x0] =	sbarrier.arrive $0xFFFF;
	(pc) =	sbr.rel @p0 .LBB2_1-.Ltmp1, $4  }
0x28: {  	[hbm:s8], [sflag:s6] =	dma.local [spmem:s10], $0x2780  }
0x29: {  	_ =	swait.ge [sflag:s11], $0x2780  }
0x2a: {  	[sflag:s11] =	ssyncset.done $0x0  }
0x2b: {  	[sflag:s11] =	ssyncadd.s32 $0xFFFFD880  }
0x2c: {  	_ =	sfence.sel $0x180000  }
0x2d: {  	[bflag:$0x0] =	sbarrier.arrive $0xFFFF  }
0x2e: {  	p0 =	sne.s32 s0, $0x0;
	_ =	strace $0x9000004D  }
0x2f: {  	s0 =	sadd.s32 @!p0 $0x100000, s1;
	[bflag:$0x2] =	sbarrier.arrive $0xFFFF  }
0x30: {  	[sflag:s0] =	ssyncadd.tile.s32 @!p0 $0x1;
	_ =	shalt  }
.Lfunc_end2:
_tile_overlayer_lowered:
.L_overlay_start_2:
0x31: {  	(tag) =	ssettag $0x2  }
0x32: {  	s0 =	rddreg [dreg:$0x0];
	s2 =	stileid.u32  }
0x33: {  	s1 =	rddreg [dreg:$0x1];
	p0 =	sne.s32 s2, $0x0  }
0x34: {  	s3 =	rddreg [dreg:$0x2];
	[bflag:$0x3] =	sbarrier.arrive $0xFFFF;
	s2 =	simm.s32 @!p0 $0x1C01  }
0x35: {  	[timem:s3], [sflag:s2] =	dma.local @!p0 [hbm:s0], s1  }
0x36: {  	s0 =	simm.s32 @!p0 $0x1  }
0x37: {  	_ =	swait.ge @!p0 [sflag:s0], s1  }
0x38: {  	s1 =	ssub.s32 @!p0 $0x0, s1;
	[sflag:s0] =	ssyncset.done @!p0 $0x0  }
0x39: {  	[sflag:s0] =	ssyncadd.s32 @!p0 s1  }
0x3a: {  	[bflag:$0x3] =	sbarrier.arrive $0xFFFF  }
0x3b: {  	_ =	shalt  }

</sc_bundles>
